<compile_context>
chip_gen: v7x
topology: tpu7x:2x2x1
jax: 0.10.2.dev20260603
libtpu: 0.0.44.dev20260713+nightly
codegen_flags: <defaults>
</compile_context>

<pallas_src>
import functools

import jax
import jax.numpy as jnp
from jax import lax
from jax.experimental import pallas as pl
from jax.experimental.pallas import tpu as pltpu
from jax.experimental.pallas import tpu_sc as plsc


@functools.cache
def _build(B, F):
    info = plsc.get_sparse_core_info()
    NW = info.num_cores * info.num_subcores
    L = info.num_lanes
    b_per_w = B // NW
    n_idx = b_per_w * F

    mesh = plsc.VectorSubcoreMesh(core_axis_name="c", subcore_axis_name="s")

    NCH = 2
    lo = [(F * k) // NCH for k in range(NCH + 1)]

    @functools.partial(
        pl.kernel,
        out_type=jax.ShapeDtypeStruct((B,), jnp.float32),
        mesh=mesh,
        scratch_types=[
            pltpu.VMEM((n_idx,), jnp.int32),
            pltpu.VMEM((n_idx,), jnp.float32),
            pltpu.VMEM((b_per_w,), jnp.float32),
            pltpu.SemaphoreType.DMA,
            pltpu.SemaphoreType.DMA,
        ],
        compiler_params=pltpu.CompilerParams(needs_layout_passes=False),
    )
    def lr_pool(fids_t_hbm, table_hbm, out_hbm, idx_v, vals_v, out_v, sem_i, sem_g):
        wid = lax.axis_index("s") * info.num_cores + lax.axis_index("c")
        base = wid * b_per_w
        copies = [
            pltpu.async_copy(
                fids_t_hbm.at[f, pl.ds(base, b_per_w)],
                idx_v.at[pl.ds(f * b_per_w, b_per_w)],
                sem_i,
            )
            for f in range(F)
        ]
        gathers = []
        for k in range(NCH):
            for f in range(lo[k], lo[k + 1]):
                copies[f].wait()
            span = (lo[k + 1] - lo[k]) * b_per_w
            gathers.append(
                pltpu.async_copy(
                    table_hbm.at[idx_v.at[pl.ds(lo[k] * b_per_w, span)]],
                    vals_v.at[pl.ds(lo[k] * b_per_w, span)],
                    sem_g,
                )
            )
        for k in range(NCH):
            gathers[k].wait()

            def red_body(g, carry, k=k):
                pos = pl.ds(g * L, L)
                acc = out_v[pos] if k else jnp.zeros((L,), jnp.float32)
                for f in range(lo[k], lo[k + 1]):
                    acc = acc + vals_v[pl.ds(f * b_per_w + g * L, L)]
                out_v[pos] = acc
                return carry

            lax.fori_loop(0, b_per_w // L, red_body, 0)
        pltpu.sync_copy(out_v, out_hbm.at[pl.ds(base, b_per_w)])

    return lr_pool


def kernel(fids_batch, table):
    B, F = fids_batch.shape
    return _build(B, F)(fids_batch.T, table)

# --- scband reference (transcript-rebuilt; emitter-appended) ---
"""Pipeline reference for scband-lrmodel-89550068122031 (READ-ONLY COPY).

The authoritative reference and input builder live on the scoring server;
editing this copy changes nothing except your own understanding.
"""

import jax, jax.numpy as jnp
import numpy as np

VOCAB = 1000000
BATCH = 16384
N_FIELDS = 26

def setup_inputs(seed: int = 0) -> dict:
    key = jax.random.key(seed)
    k_idx, k_tab = jax.random.split(key)
    fids_batch = jax.random.randint(k_idx, (BATCH, N_FIELDS), 0, VOCAB, dtype=jnp.int64 if jax.config.jax_enable_x64 else jnp.int32)
    fids_batch = fids_batch.astype(jnp.int32)
    # Learned scalar embedding per fid (torch.zeros(1) per fid in original; use small random values
    # so the forward output is non-degenerate while staying faithful to a scalar-per-fid table).
    table = jax.random.normal(k_tab, (VOCAB,), dtype=jnp.float32) * 0.01
    return {"fids_batch": fids_batch, "table": table}

def reference(fids_batch, table):
    # Original: for each example, cat scalar embeddings of its fids -> [F], stack -> [B, F],
    # sum over dim=1 -> [B], squeeze -> [B].
    embeddings = jnp.take(table, fids_batch, axis=0)  # gather -> [B, F]
    output = jnp.sum(embeddings, axis=1)              # [B]
    prediction = jnp.squeeze(output)
    return prediction

if __name__ == "__main__":
    import jax
    _d = setup_inputs()
    print(jax.jit(kernel)(*tuple(_d.values())))

</pallas_src>

<mosaic_0001>
#map = affine_map<(d0, d1) -> (0, 0)>
#map1 = affine_map<(d0, d1) -> (0)>
module attributes {stable_mosaic.version = 14 : i64} {
  func.func @lr_pool(%arg0: i32, %arg1: i32, %arg2: memref<26x16384xi32, #tpu.memory_space<hbm>>, %arg3: memref<1000000xf32, #tpu.memory_space<hbm>>, %arg4: memref<16384xf32, #tpu.memory_space<hbm>>, %arg5: memref<13312xi32, #tpu.memory_space<vmem>>, %arg6: memref<13312xf32, #tpu.memory_space<vmem>>, %arg7: memref<512xf32, #tpu.memory_space<vmem>>, %arg8: memref<!tpu.dma_semaphore, #tpu.memory_space<semaphore_mem>>, %arg9: memref<!tpu.dma_semaphore, #tpu.memory_space<semaphore_mem>>) attributes {dimension_semantics = [#tpu.dimension_semantics<core_parallel>, #tpu.dimension_semantics<subcore_parallel>], iteration_bounds = array<i64: 2, 16>, scalar_prefetch = 0 : i64, scratch_operands = 5 : i64, tpu.core_type = #tpu.core_type<sc_vector_subcore>, window_params = [{transform_indices = #map}, {transform_indices = #map1}, {transform_indices = #map1}]} {
    %mul3A = arith.constant 2 : i32
    %mul3A_0 = arith.muli %arg1, %mul3A : i32
    %add3A = arith.addi %mul3A_0, %arg0 : i32
    %mul3A_1 = arith.constant 512 : i32
    %mul3A_2 = arith.muli %add3A, %mul3A_1 : i32
    %dma_start3A = arith.constant 0 : i32
    %dma_start3A_3 = arith.constant 0 : i32
    %dma_start3A_4 = tpu.memref_slice %arg5[%dma_start3A_3] : memref<13312xi32, #tpu.memory_space<vmem>> -> memref<512xi32, #tpu.memory_space<vmem>>
    %dma_start3A_5 = tpu.memref_slice %arg2[%dma_start3A, %mul3A_2] : memref<26x16384xi32, #tpu.memory_space<hbm>> -> memref<1x512xi32, #tpu.memory_space<hbm>>
    %dma_start3A_6 = tpu.memref_squeeze %dma_start3A_5 : memref<1x512xi32, #tpu.memory_space<hbm>> -> memref<512xi32, #tpu.memory_space<hbm>>
    %dma_start3A_7 = arith.constant 0 : i32
    %dma_start3A_8 = tpu.memref_slice %arg5[%dma_start3A_7] : memref<13312xi32, #tpu.memory_space<vmem>> -> memref<512xi32, #tpu.memory_space<vmem>>
    %dma_start3A_9 = tpu.memref_slice %arg2[%dma_start3A, %mul3A_2] : memref<26x16384xi32, #tpu.memory_space<hbm>> -> memref<1x512xi32, #tpu.memory_space<hbm>>
    %dma_start3A_10 = tpu.memref_squeeze %dma_start3A_9 : memref<1x512xi32, #tpu.memory_space<hbm>> -> memref<512xi32, #tpu.memory_space<hbm>>
    tpu.enqueue_dma source(%dma_start3A_10 : memref<512xi32, #tpu.memory_space<hbm>>) target(%dma_start3A_8 : memref<512xi32, #tpu.memory_space<vmem>>) target_semaphore(%arg8 : memref<!tpu.dma_semaphore, #tpu.memory_space<semaphore_mem>>)
    %dma_start3A_11 = arith.constant 1 : i32
    %dma_start3A_12 = arith.constant 512 : i32
    %dma_start3A_13 = tpu.memref_slice %arg5[%dma_start3A_12] : memref<13312xi32, #tpu.memory_space<vmem>> -> memref<512xi32, #tpu.memory_space<vmem>>
    %dma_start3A_14 = tpu.memref_slice %arg2[%dma_start3A_11, %mul3A_2] : memref<26x16384xi32, #tpu.memory_space<hbm>> -> memref<1x512xi32, #tpu.memory_space<hbm>>
    %dma_start3A_15 = tpu.memref_squeeze %dma_start3A_14 : memref<1x512xi32, #tpu.memory_space<hbm>> -> memref<512xi32, #tpu.memory_space<hbm>>
    %dma_start3A_16 = arith.constant 512 : i32
    %dma_start3A_17 = tpu.memref_slice %arg5[%dma_start3A_16] : memref<13312xi32, #tpu.memory_space<vmem>> -> memref<512xi32, #tpu.memory_space<vmem>>
    %dma_start3A_18 = tpu.memref_slice %arg2[%dma_start3A_11, %mul3A_2] : memref<26x16384xi32, #tpu.memory_space<hbm>> -> memref<1x512xi32, #tpu.memory_space<hbm>>
    %dma_start3A_19 = tpu.memref_squeeze %dma_start3A_18 : memref<1x512xi32, #tpu.memory_space<hbm>> -> memref<512xi32, #tpu.memory_space<hbm>>
    tpu.enqueue_dma source(%dma_start3A_19 : memref<512xi32, #tpu.memory_space<hbm>>) target(%dma_start3A_17 : memref<512xi32, #tpu.memory_space<vmem>>) target_semaphore(%arg8 : memref<!tpu.dma_semaphore, #tpu.memory_space<semaphore_mem>>)
    %dma_start3A_20 = arith.constant 2 : i32
    %dma_start3A_21 = arith.constant 1024 : i32
    %dma_start3A_22 = tpu.memref_slice %arg5[%dma_start3A_21] : memref<13312xi32, #tpu.memory_space<vmem>> -> memref<512xi32, #tpu.memory_space<vmem>>
    %dma_start3A_23 = tpu.memref_slice %arg2[%dma_start3A_20, %mul3A_2] : memref<26x16384xi32, #tpu.memory_space<hbm>> -> memref<1x512xi32, #tpu.memory_space<hbm>>
    %dma_start3A_24 = tpu.memref_squeeze %dma_start3A_23 : memref<1x512xi32, #tpu.memory_space<hbm>> -> memref<512xi32, #tpu.memory_space<hbm>>
    %dma_start3A_25 = arith.constant 1024 : i32
    %dma_start3A_26 = tpu.memref_slice %arg5[%dma_start3A_25] : memref<13312xi32, #tpu.memory_space<vmem>> -> memref<512xi32, #tpu.memory_space<vmem>>
    %dma_start3A_27 = tpu.memref_slice %arg2[%dma_start3A_20, %mul3A_2] : memref<26x16384xi32, #tpu.memory_space<hbm>> -> memref<1x512xi32, #tpu.memory_space<hbm>>
    %dma_start3A_28 = tpu.memref_squeeze %dma_start3A_27 : memref<1x512xi32, #tpu.memory_space<hbm>> -> memref<512xi32, #tpu.memory_space<hbm>>
    tpu.enqueue_dma source(%dma_start3A_28 : memref<512xi32, #tpu.memory_space<hbm>>) target(%dma_start3A_26 : memref<512xi32, #tpu.memory_space<vmem>>) target_semaphore(%arg8 : memref<!tpu.dma_semaphore, #tpu.memory_space<semaphore_mem>>)
    %dma_start3A_29 = arith.constant 3 : i32
    %dma_start3A_30 = arith.constant 1536 : i32
    %dma_start3A_31 = tpu.memref_slice %arg5[%dma_start3A_30] : memref<13312xi32, #tpu.memory_space<vmem>> -> memref<512xi32, #tpu.memory_space<vmem>>
    %dma_start3A_32 = tpu.memref_slice %arg2[%dma_start3A_29, %mul3A_2] : memref<26x16384xi32, #tpu.memory_space<hbm>> -> memref<1x512xi32, #tpu.memory_space<hbm>>
    %dma_start3A_33 = tpu.memref_squeeze %dma_start3A_32 : memref<1x512xi32, #tpu.memory_space<hbm>> -> memref<512xi32, #tpu.memory_space<hbm>>
    %dma_start3A_34 = arith.constant 1536 : i32
    %dma_start3A_35 = tpu.memref_slice %arg5[%dma_start3A_34] : memref<13312xi32, #tpu.memory_space<vmem>> -> memref<512xi32, #tpu.memory_space<vmem>>
    %dma_start3A_36 = tpu.memref_slice %arg2[%dma_start3A_29, %mul3A_2] : memref<26x16384xi32, #tpu.memory_space<hbm>> -> memref<1x512xi32, #tpu.memory_space<hbm>>
    %dma_start3A_37 = tpu.memref_squeeze %dma_start3A_36 : memref<1x512xi32, #tpu.memory_space<hbm>> -> memref<512xi32, #tpu.memory_space<hbm>>
    tpu.enqueue_dma source(%dma_start3A_37 : memref<512xi32, #tpu.memory_space<hbm>>) target(%dma_start3A_35 : memref<512xi32, #tpu.memory_space<vmem>>) target_semaphore(%arg8 : memref<!tpu.dma_semaphore, #tpu.memory_space<semaphore_mem>>)
    %dma_start3A_38 = arith.constant 4 : i32
    %dma_start3A_39 = arith.constant 2048 : i32
    %dma_start3A_40 = tpu.memref_slice %arg5[%dma_start3A_39] : memref<13312xi32, #tpu.memory_space<vmem>> -> memref<512xi32, #tpu.memory_space<vmem>>
    %dma_start3A_41 = tpu.memref_slice %arg2[%dma_start3A_38, %mul3A_2] : memref<26x16384xi32, #tpu.memory_space<hbm>> -> memref<1x512xi32, #tpu.memory_space<hbm>>
    %dma_start3A_42 = tpu.memref_squeeze %dma_start3A_41 : memref<1x512xi32, #tpu.memory_space<hbm>> -> memref<512xi32, #tpu.memory_space<hbm>>
    %dma_start3A_43 = arith.constant 2048 : i32
    %dma_start3A_44 = tpu.memref_slice %arg5[%dma_start3A_43] : memref<13312xi32, #tpu.memory_space<vmem>> -> memref<512xi32, #tpu.memory_space<vmem>>
    %dma_start3A_45 = tpu.memref_slice %arg2[%dma_start3A_38, %mul3A_2] : memref<26x16384xi32, #tpu.memory_space<hbm>> -> memref<1x512xi32, #tpu.memory_space<hbm>>
    %dma_start3A_46 = tpu.memref_squeeze %dma_start3A_45 : memref<1x512xi32, #tpu.memory_space<hbm>> -> memref<512xi32, #tpu.memory_space<hbm>>
    tpu.enqueue_dma source(%dma_start3A_46 : memref<512xi32, #tpu.memory_space<hbm>>) target(%dma_start3A_44 : memref<512xi32, #tpu.memory_space<vmem>>) target_semaphore(%arg8 : memref<!tpu.dma_semaphore, #tpu.memory_space<semaphore_mem>>)
    %dma_start3A_47 = arith.constant 5 : i32
    %dma_start3A_48 = arith.constant 2560 : i32
    %dma_start3A_49 = tpu.memref_slice %arg5[%dma_start3A_48] : memref<13312xi32, #tpu.memory_space<vmem>> -> memref<512xi32, #tpu.memory_space<vmem>>
    %dma_start3A_50 = tpu.memref_slice %arg2[%dma_start3A_47, %mul3A_2] : memref<26x16384xi32, #tpu.memory_space<hbm>> -> memref<1x512xi32, #tpu.memory_space<hbm>>
    %dma_start3A_51 = tpu.memref_squeeze %dma_start3A_50 : memref<1x512xi32, #tpu.memory_space<hbm>> -> memref<512xi32, #tpu.memory_space<hbm>>
    %dma_start3A_52 = arith.constant 2560 : i32
    %dma_start3A_53 = tpu.memref_slice %arg5[%dma_start3A_52] : memref<13312xi32, #tpu.memory_space<vmem>> -> memref<512xi32, #tpu.memory_space<vmem>>
    %dma_start3A_54 = tpu.memref_slice %arg2[%dma_start3A_47, %mul3A_2] : memref<26x16384xi32, #tpu.memory_space<hbm>> -> memref<1x512xi32, #tpu.memory_space<hbm>>
    %dma_start3A_55 = tpu.memref_squeeze %dma_start3A_54 : memref<1x512xi32, #tpu.memory_space<hbm>> -> memref<512xi32, #tpu.memory_space<hbm>>
    tpu.enqueue_dma source(%dma_start3A_55 : memref<512xi32, #tpu.memory_space<hbm>>) target(%dma_start3A_53 : memref<512xi32, #tpu.memory_space<vmem>>) target_semaphore(%arg8 : memref<!tpu.dma_semaphore, #tpu.memory_space<semaphore_mem>>)
    %dma_start3A_56 = arith.constant 6 : i32
    %dma_start3A_57 = arith.constant 3072 : i32
    %dma_start3A_58 = tpu.memref_slice %arg5[%dma_start3A_57] : memref<13312xi32, #tpu.memory_space<vmem>> -> memref<512xi32, #tpu.memory_space<vmem>>
    %dma_start3A_59 = tpu.memref_slice %arg2[%dma_start3A_56, %mul3A_2] : memref<26x16384xi32, #tpu.memory_space<hbm>> -> memref<1x512xi32, #tpu.memory_space<hbm>>
    %dma_start3A_60 = tpu.memref_squeeze %dma_start3A_59 : memref<1x512xi32, #tpu.memory_space<hbm>> -> memref<512xi32, #tpu.memory_space<hbm>>
    %dma_start3A_61 = arith.constant 3072 : i32
    %dma_start3A_62 = tpu.memref_slice %arg5[%dma_start3A_61] : memref<13312xi32, #tpu.memory_space<vmem>> -> memref<512xi32, #tpu.memory_space<vmem>>
    %dma_start3A_63 = tpu.memref_slice %arg2[%dma_start3A_56, %mul3A_2] : memref<26x16384xi32, #tpu.memory_space<hbm>> -> memref<1x512xi32, #tpu.memory_space<hbm>>
    %dma_start3A_64 = tpu.memref_squeeze %dma_start3A_63 : memref<1x512xi32, #tpu.memory_space<hbm>> -> memref<512xi32, #tpu.memory_space<hbm>>
    tpu.enqueue_dma source(%dma_start3A_64 : memref<512xi32, #tpu.memory_space<hbm>>) target(%dma_start3A_62 : memref<512xi32, #tpu.memory_space<vmem>>) target_semaphore(%arg8 : memref<!tpu.dma_semaphore, #tpu.memory_space<semaphore_mem>>)
    %dma_start3A_65 = arith.constant 7 : i32
    %dma_start3A_66 = arith.constant 3584 : i32
    %dma_start3A_67 = tpu.memref_slice %arg5[%dma_start3A_66] : memref<13312xi32, #tpu.memory_space<vmem>> -> memref<512xi32, #tpu.memory_space<vmem>>
    %dma_start3A_68 = tpu.memref_slice %arg2[%dma_start3A_65, %mul3A_2] : memref<26x16384xi32, #tpu.memory_space<hbm>> -> memref<1x512xi32, #tpu.memory_space<hbm>>
    %dma_start3A_69 = tpu.memref_squeeze %dma_start3A_68 : memref<1x512xi32, #tpu.memory_space<hbm>> -> memref<512xi32, #tpu.memory_space<hbm>>
    %dma_start3A_70 = arith.constant 3584 : i32
    %dma_start3A_71 = tpu.memref_slice %arg5[%dma_start3A_70] : memref<13312xi32, #tpu.memory_space<vmem>> -> memref<512xi32, #tpu.memory_space<vmem>>
    %dma_start3A_72 = tpu.memref_slice %arg2[%dma_start3A_65, %mul3A_2] : memref<26x16384xi32, #tpu.memory_space<hbm>> -> memref<1x512xi32, #tpu.memory_space<hbm>>
    %dma_start3A_73 = tpu.memref_squeeze %dma_start3A_72 : memref<1x512xi32, #tpu.memory_space<hbm>> -> memref<512xi32, #tpu.memory_space<hbm>>
    tpu.enqueue_dma source(%dma_start3A_73 : memref<512xi32, #tpu.memory_space<hbm>>) target(%dma_start3A_71 : memref<512xi32, #tpu.memory_space<vmem>>) target_semaphore(%arg8 : memref<!tpu.dma_semaphore, #tpu.memory_space<semaphore_mem>>)
    %dma_start3A_74 = arith.constant 8 : i32
    %dma_start3A_75 = arith.constant 4096 : i32
    %dma_start3A_76 = tpu.memref_slice %arg5[%dma_start3A_75] : memref<13312xi32, #tpu.memory_space<vmem>> -> memref<512xi32, #tpu.memory_space<vmem>>
    %dma_start3A_77 = tpu.memref_slice %arg2[%dma_start3A_74, %mul3A_2] : memref<26x16384xi32, #tpu.memory_space<hbm>> -> memref<1x512xi32, #tpu.memory_space<hbm>>
    %dma_start3A_78 = tpu.memref_squeeze %dma_start3A_77 : memref<1x512xi32, #tpu.memory_space<hbm>> -> memref<512xi32, #tpu.memory_space<hbm>>
    %dma_start3A_79 = arith.constant 4096 : i32
    %dma_start3A_80 = tpu.memref_slice %arg5[%dma_start3A_79] : memref<13312xi32, #tpu.memory_space<vmem>> -> memref<512xi32, #tpu.memory_space<vmem>>
    %dma_start3A_81 = tpu.memref_slice %arg2[%dma_start3A_74, %mul3A_2] : memref<26x16384xi32, #tpu.memory_space<hbm>> -> memref<1x512xi32, #tpu.memory_space<hbm>>
    %dma_start3A_82 = tpu.memref_squeeze %dma_start3A_81 : memref<1x512xi32, #tpu.memory_space<hbm>> -> memref<512xi32, #tpu.memory_space<hbm>>
    tpu.enqueue_dma source(%dma_start3A_82 : memref<512xi32, #tpu.memory_space<hbm>>) target(%dma_start3A_80 : memref<512xi32, #tpu.memory_space<vmem>>) target_semaphore(%arg8 : memref<!tpu.dma_semaphore, #tpu.memory_space<semaphore_mem>>)
    %dma_start3A_83 = arith.constant 9 : i32
    %dma_start3A_84 = arith.constant 4608 : i32
    %dma_start3A_85 = tpu.memref_slice %arg5[%dma_start3A_84] : memref<13312xi32, #tpu.memory_space<vmem>> -> memref<512xi32, #tpu.memory_space<vmem>>
    %dma_start3A_86 = tpu.memref_slice %arg2[%dma_start3A_83, %mul3A_2] : memref<26x16384xi32, #tpu.memory_space<hbm>> -> memref<1x512xi32, #tpu.memory_space<hbm>>
    %dma_start3A_87 = tpu.memref_squeeze %dma_start3A_86 : memref<1x512xi32, #tpu.memory_space<hbm>> -> memref<512xi32, #tpu.memory_space<hbm>>
    %dma_start3A_88 = arith.constant 4608 : i32
    %dma_start3A_89 = tpu.memref_slice %arg5[%dma_start3A_88] : memref<13312xi32, #tpu.memory_space<vmem>> -> memref<512xi32, #tpu.memory_space<vmem>>
    %dma_start3A_90 = tpu.memref_slice %arg2[%dma_start3A_83, %mul3A_2] : memref<26x16384xi32, #tpu.memory_space<hbm>> -> memref<1x512xi32, #tpu.memory_space<hbm>>
    %dma_start3A_91 = tpu.memref_squeeze %dma_start3A_90 : memref<1x512xi32, #tpu.memory_space<hbm>> -> memref<512xi32, #tpu.memory_space<hbm>>
    tpu.enqueue_dma source(%dma_start3A_91 : memref<512xi32, #tpu.memory_space<hbm>>) target(%dma_start3A_89 : memref<512xi32, #tpu.memory_space<vmem>>) target_semaphore(%arg8 : memref<!tpu.dma_semaphore, #tpu.memory_space<semaphore_mem>>)
    %dma_start3A_92 = arith.constant 10 : i32
    %dma_start3A_93 = arith.constant 5120 : i32
    %dma_start3A_94 = tpu.memref_slice %arg5[%dma_start3A_93] : memref<13312xi32, #tpu.memory_space<vmem>> -> memref<512xi32, #tpu.memory_space<vmem>>
    %dma_start3A_95 = tpu.memref_slice %arg2[%dma_start3A_92, %mul3A_2] : memref<26x16384xi32, #tpu.memory_space<hbm>> -> memref<1x512xi32, #tpu.memory_space<hbm>>
    %dma_start3A_96 = tpu.memref_squeeze %dma_start3A_95 : memref<1x512xi32, #tpu.memory_space<hbm>> -> memref<512xi32, #tpu.memory_space<hbm>>
    %dma_start3A_97 = arith.constant 5120 : i32
    %dma_start3A_98 = tpu.memref_slice %arg5[%dma_start3A_97] : memref<13312xi32, #tpu.memory_space<vmem>> -> memref<512xi32, #tpu.memory_space<vmem>>
    %dma_start3A_99 = tpu.memref_slice %arg2[%dma_start3A_92, %mul3A_2] : memref<26x16384xi32, #tpu.memory_space<hbm>> -> memref<1x512xi32, #tpu.memory_space<hbm>>
    %dma_start3A_100 = tpu.memref_squeeze %dma_start3A_99 : memref<1x512xi32, #tpu.memory_space<hbm>> -> memref<512xi32, #tpu.memory_space<hbm>>
    tpu.enqueue_dma source(%dma_start3A_100 : memref<512xi32, #tpu.memory_space<hbm>>) target(%dma_start3A_98 : memref<512xi32, #tpu.memory_space<vmem>>) target_semaphore(%arg8 : memref<!tpu.dma_semaphore, #tpu.memory_space<semaphore_mem>>)
    %dma_start3A_101 = arith.constant 11 : i32
    %dma_start3A_102 = arith.constant 5632 : i32
    %dma_start3A_103 = tpu.memref_slice %arg5[%dma_start3A_102] : memref<13312xi32, #tpu.memory_space<vmem>> -> memref<512xi32, #tpu.memory_space<vmem>>
    %dma_start3A_104 = tpu.memref_slice %arg2[%dma_start3A_101, %mul3A_2] : memref<26x16384xi32, #tpu.memory_space<hbm>> -> memref<1x512xi32, #tpu.memory_space<hbm>>
    %dma_start3A_105 = tpu.memref_squeeze %dma_start3A_104 : memref<1x512xi32, #tpu.memory_space<hbm>> -> memref<512xi32, #tpu.memory_space<hbm>>
    %dma_start3A_106 = arith.constant 5632 : i32
    %dma_start3A_107 = tpu.memref_slice %arg5[%dma_start3A_106] : memref<13312xi32, #tpu.memory_space<vmem>> -> memref<512xi32, #tpu.memory_space<vmem>>
    %dma_start3A_108 = tpu.memref_slice %arg2[%dma_start3A_101, %mul3A_2] : memref<26x16384xi32, #tpu.memory_space<hbm>> -> memref<1x512xi32, #tpu.memory_space<hbm>>
    %dma_start3A_109 = tpu.memref_squeeze %dma_start3A_108 : memref<1x512xi32, #tpu.memory_space<hbm>> -> memref<512xi32, #tpu.memory_space<hbm>>
    tpu.enqueue_dma source(%dma_start3A_109 : memref<512xi32, #tpu.memory_space<hbm>>) target(%dma_start3A_107 : memref<512xi32, #tpu.memory_space<vmem>>) target_semaphore(%arg8 : memref<!tpu.dma_semaphore, #tpu.memory_space<semaphore_mem>>)
    %dma_start3A_110 = arith.constant 12 : i32
    %dma_start3A_111 = arith.constant 6144 : i32
    %dma_start3A_112 = tpu.memref_slice %arg5[%dma_start3A_111] : memref<13312xi32, #tpu.memory_space<vmem>> -> memref<512xi32, #tpu.memory_space<vmem>>
    %dma_start3A_113 = tpu.memref_slice %arg2[%dma_start3A_110, %mul3A_2] : memref<26x16384xi32, #tpu.memory_space<hbm>> -> memref<1x512xi32, #tpu.memory_space<hbm>>
    %dma_start3A_114 = tpu.memref_squeeze %dma_start3A_113 : memref<1x512xi32, #tpu.memory_space<hbm>> -> memref<512xi32, #tpu.memory_space<hbm>>
    %dma_start3A_115 = arith.constant 6144 : i32
    %dma_start3A_116 = tpu.memref_slice %arg5[%dma_start3A_115] : memref<13312xi32, #tpu.memory_space<vmem>> -> memref<512xi32, #tpu.memory_space<vmem>>
    %dma_start3A_117 = tpu.memref_slice %arg2[%dma_start3A_110, %mul3A_2] : memref<26x16384xi32, #tpu.memory_space<hbm>> -> memref<1x512xi32, #tpu.memory_space<hbm>>
    %dma_start3A_118 = tpu.memref_squeeze %dma_start3A_117 : memref<1x512xi32, #tpu.memory_space<hbm>> -> memref<512xi32, #tpu.memory_space<hbm>>
    tpu.enqueue_dma source(%dma_start3A_118 : memref<512xi32, #tpu.memory_space<hbm>>) target(%dma_start3A_116 : memref<512xi32, #tpu.memory_space<vmem>>) target_semaphore(%arg8 : memref<!tpu.dma_semaphore, #tpu.memory_space<semaphore_mem>>)
    %dma_start3A_119 = arith.constant 13 : i32
    %dma_start3A_120 = arith.constant 6656 : i32
    %dma_start3A_121 = tpu.memref_slice %arg5[%dma_start3A_120] : memref<13312xi32, #tpu.memory_space<vmem>> -> memref<512xi32, #tpu.memory_space<vmem>>
    %dma_start3A_122 = tpu.memref_slice %arg2[%dma_start3A_119, %mul3A_2] : memref<26x16384xi32, #tpu.memory_space<hbm>> -> memref<1x512xi32, #tpu.memory_space<hbm>>
    %dma_start3A_123 = tpu.memref_squeeze %dma_start3A_122 : memref<1x512xi32, #tpu.memory_space<hbm>> -> memref<512xi32, #tpu.memory_space<hbm>>
    %dma_start3A_124 = arith.constant 6656 : i32
    %dma_start3A_125 = tpu.memref_slice %arg5[%dma_start3A_124] : memref<13312xi32, #tpu.memory_space<vmem>> -> memref<512xi32, #tpu.memory_space<vmem>>
    %dma_start3A_126 = tpu.memref_slice %arg2[%dma_start3A_119, %mul3A_2] : memref<26x16384xi32, #tpu.memory_space<hbm>> -> memref<1x512xi32, #tpu.memory_space<hbm>>
    %dma_start3A_127 = tpu.memref_squeeze %dma_start3A_126 : memref<1x512xi32, #tpu.memory_space<hbm>> -> memref<512xi32, #tpu.memory_space<hbm>>
    tpu.enqueue_dma source(%dma_start3A_127 : memref<512xi32, #tpu.memory_space<hbm>>) target(%dma_start3A_125 : memref<512xi32, #tpu.memory_space<vmem>>) target_semaphore(%arg8 : memref<!tpu.dma_semaphore, #tpu.memory_space<semaphore_mem>>)
    %dma_start3A_128 = arith.constant 14 : i32
    %dma_start3A_129 = arith.constant 7168 : i32
    %dma_start3A_130 = tpu.memref_slice %arg5[%dma_start3A_129] : memref<13312xi32, #tpu.memory_space<vmem>> -> memref<512xi32, #tpu.memory_space<vmem>>
    %dma_start3A_131 = tpu.memref_slice %arg2[%dma_start3A_128, %mul3A_2] : memref<26x16384xi32, #tpu.memory_space<hbm>> -> memref<1x512xi32, #tpu.memory_space<hbm>>
    %dma_start3A_132 = tpu.memref_squeeze %dma_start3A_131 : memref<1x512xi32, #tpu.memory_space<hbm>> -> memref<512xi32, #tpu.memory_space<hbm>>
    %dma_start3A_133 = arith.constant 7168 : i32
    %dma_start3A_134 = tpu.memref_slice %arg5[%dma_start3A_133] : memref<13312xi32, #tpu.memory_space<vmem>> -> memref<512xi32, #tpu.memory_space<vmem>>
    %dma_start3A_135 = tpu.memref_slice %arg2[%dma_start3A_128, %mul3A_2] : memref<26x16384xi32, #tpu.memory_space<hbm>> -> memref<1x512xi32, #tpu.memory_space<hbm>>
    %dma_start3A_136 = tpu.memref_squeeze %dma_start3A_135 : memref<1x512xi32, #tpu.memory_space<hbm>> -> memref<512xi32, #tpu.memory_space<hbm>>
    tpu.enqueue_dma source(%dma_start3A_136 : memref<512xi32, #tpu.memory_space<hbm>>) target(%dma_start3A_134 : memref<512xi32, #tpu.memory_space<vmem>>) target_semaphore(%arg8 : memref<!tpu.dma_semaphore, #tpu.memory_space<semaphore_mem>>)
    %dma_start3A_137 = arith.constant 15 : i32
    %dma_start3A_138 = arith.constant 7680 : i32
    %dma_start3A_139 = tpu.memref_slice %arg5[%dma_start3A_138] : memref<13312xi32, #tpu.memory_space<vmem>> -> memref<512xi32, #tpu.memory_space<vmem>>
    %dma_start3A_140 = tpu.memref_slice %arg2[%dma_start3A_137, %mul3A_2] : memref<26x16384xi32, #tpu.memory_space<hbm>> -> memref<1x512xi32, #tpu.memory_space<hbm>>
    %dma_start3A_141 = tpu.memref_squeeze %dma_start3A_140 : memref<1x512xi32, #tpu.memory_space<hbm>> -> memref<512xi32, #tpu.memory_space<hbm>>
    %dma_start3A_142 = arith.constant 7680 : i32
    %dma_start3A_143 = tpu.memref_slice %arg5[%dma_start3A_142] : memref<13312xi32, #tpu.memory_space<vmem>> -> memref<512xi32, #tpu.memory_space<vmem>>
    %dma_start3A_144 = tpu.memref_slice %arg2[%dma_start3A_137, %mul3A_2] : memref<26x16384xi32, #tpu.memory_space<hbm>> -> memref<1x512xi32, #tpu.memory_space<hbm>>
    %dma_start3A_145 = tpu.memref_squeeze %dma_start3A_144 : memref<1x512xi32, #tpu.memory_space<hbm>> -> memref<512xi32, #tpu.memory_space<hbm>>
    tpu.enqueue_dma source(%dma_start3A_145 : memref<512xi32, #tpu.memory_space<hbm>>) target(%dma_start3A_143 : memref<512xi32, #tpu.memory_space<vmem>>) target_semaphore(%arg8 : memref<!tpu.dma_semaphore, #tpu.memory_space<semaphore_mem>>)
    %dma_start3A_146 = arith.constant 16 : i32
    %dma_start3A_147 = arith.constant 8192 : i32
    %dma_start3A_148 = tpu.memref_slice %arg5[%dma_start3A_147] : memref<13312xi32, #tpu.memory_space<vmem>> -> memref<512xi32, #tpu.memory_space<vmem>>
    %dma_start3A_149 = tpu.memref_slice %arg2[%dma_start3A_146, %mul3A_2] : memref<26x16384xi32, #tpu.memory_space<hbm>> -> memref<1x512xi32, #tpu.memory_space<hbm>>
    %dma_start3A_150 = tpu.memref_squeeze %dma_start3A_149 : memref<1x512xi32, #tpu.memory_space<hbm>> -> memref<512xi32, #tpu.memory_space<hbm>>
    %dma_start3A_151 = arith.constant 8192 : i32
    %dma_start3A_152 = tpu.memref_slice %arg5[%dma_start3A_151] : memref<13312xi32, #tpu.memory_space<vmem>> -> memref<512xi32, #tpu.memory_space<vmem>>
    %dma_start3A_153 = tpu.memref_slice %arg2[%dma_start3A_146, %mul3A_2] : memref<26x16384xi32, #tpu.memory_space<hbm>> -> memref<1x512xi32, #tpu.memory_space<hbm>>
    %dma_start3A_154 = tpu.memref_squeeze %dma_start3A_153 : memref<1x512xi32, #tpu.memory_space<hbm>> -> memref<512xi32, #tpu.memory_space<hbm>>
    tpu.enqueue_dma source(%dma_start3A_154 : memref<512xi32, #tpu.memory_space<hbm>>) target(%dma_start3A_152 : memref<512xi32, #tpu.memory_space<vmem>>) target_semaphore(%arg8 : memref<!tpu.dma_semaphore, #tpu.memory_space<semaphore_mem>>)
    %dma_start3A_155 = arith.constant 17 : i32
    %dma_start3A_156 = arith.constant 8704 : i32
    %dma_start3A_157 = tpu.memref_slice %arg5[%dma_start3A_156] : memref<13312xi32, #tpu.memory_space<vmem>> -> memref<512xi32, #tpu.memory_space<vmem>>
    %dma_start3A_158 = tpu.memref_slice %arg2[%dma_start3A_155, %mul3A_2] : memref<26x16384xi32, #tpu.memory_space<hbm>> -> memref<1x512xi32, #tpu.memory_space<hbm>>
    %dma_start3A_159 = tpu.memref_squeeze %dma_start3A_158 : memref<1x512xi32, #tpu.memory_space<hbm>> -> memref<512xi32, #tpu.memory_space<hbm>>
    %dma_start3A_160 = arith.constant 8704 : i32
    %dma_start3A_161 = tpu.memref_slice %arg5[%dma_start3A_160] : memref<13312xi32, #tpu.memory_space<vmem>> -> memref<512xi32, #tpu.memory_space<vmem>>
    %dma_start3A_162 = tpu.memref_slice %arg2[%dma_start3A_155, %mul3A_2] : memref<26x16384xi32, #tpu.memory_space<hbm>> -> memref<1x512xi32, #tpu.memory_space<hbm>>
    %dma_start3A_163 = tpu.memref_squeeze %dma_start3A_162 : memref<1x512xi32, #tpu.memory_space<hbm>> -> memref<512xi32, #tpu.memory_space<hbm>>
    tpu.enqueue_dma source(%dma_start3A_163 : memref<512xi32, #tpu.memory_space<hbm>>) target(%dma_start3A_161 : memref<512xi32, #tpu.memory_space<vmem>>) target_semaphore(%arg8 : memref<!tpu.dma_semaphore, #tpu.memory_space<semaphore_mem>>)
    %dma_start3A_164 = arith.constant 18 : i32
    %dma_start3A_165 = arith.constant 9216 : i32
    %dma_start3A_166 = tpu.memref_slice %arg5[%dma_start3A_165] : memref<13312xi32, #tpu.memory_space<vmem>> -> memref<512xi32, #tpu.memory_space<vmem>>
    %dma_start3A_167 = tpu.memref_slice %arg2[%dma_start3A_164, %mul3A_2] : memref<26x16384xi32, #tpu.memory_space<hbm>> -> memref<1x512xi32, #tpu.memory_space<hbm>>
    %dma_start3A_168 = tpu.memref_squeeze %dma_start3A_167 : memref<1x512xi32, #tpu.memory_space<hbm>> -> memref<512xi32, #tpu.memory_space<hbm>>
    %dma_start3A_169 = arith.constant 9216 : i32
    %dma_start3A_170 = tpu.memref_slice %arg5[%dma_start3A_169] : memref<13312xi32, #tpu.memory_space<vmem>> -> memref<512xi32, #tpu.memory_space<vmem>>
    %dma_start3A_171 = tpu.memref_slice %arg2[%dma_start3A_164, %mul3A_2] : memref<26x16384xi32, #tpu.memory_space<hbm>> -> memref<1x512xi32, #tpu.memory_space<hbm>>
    %dma_start3A_172 = tpu.memref_squeeze %dma_start3A_171 : memref<1x512xi32, #tpu.memory_space<hbm>> -> memref<512xi32, #tpu.memory_space<hbm>>
    tpu.enqueue_dma source(%dma_start3A_172 : memref<512xi32, #tpu.memory_space<hbm>>) target(%dma_start3A_170 : memref<512xi32, #tpu.memory_space<vmem>>) target_semaphore(%arg8 : memref<!tpu.dma_semaphore, #tpu.memory_space<semaphore_mem>>)
    %dma_start3A_173 = arith.constant 19 : i32
    %dma_start3A_174 = arith.constant 9728 : i32
    %dma_start3A_175 = tpu.memref_slice %arg5[%dma_start3A_174] : memref<13312xi32, #tpu.memory_space<vmem>> -> memref<512xi32, #tpu.memory_space<vmem>>
    %dma_start3A_176 = tpu.memref_slice %arg2[%dma_start3A_173, %mul3A_2] : memref<26x16384xi32, #tpu.memory_space<hbm>> -> memref<1x512xi32, #tpu.memory_space<hbm>>
    %dma_start3A_177 = tpu.memref_squeeze %dma_start3A_176 : memref<1x512xi32, #tpu.memory_space<hbm>> -> memref<512xi32, #tpu.memory_space<hbm>>
    %dma_start3A_178 = arith.constant 9728 : i32
    %dma_start3A_179 = tpu.memref_slice %arg5[%dma_start3A_178] : memref<13312xi32, #tpu.memory_space<vmem>> -> memref<512xi32, #tpu.memory_space<vmem>>
    %dma_start3A_180 = tpu.memref_slice %arg2[%dma_start3A_173, %mul3A_2] : memref<26x16384xi32, #tpu.memory_space<hbm>> -> memref<1x512xi32, #tpu.memory_space<hbm>>
    %dma_start3A_181 = tpu.memref_squeeze %dma_start3A_180 : memref<1x512xi32, #tpu.memory_space<hbm>> -> memref<512xi32, #tpu.memory_space<hbm>>
    tpu.enqueue_dma source(%dma_start3A_181 : memref<512xi32, #tpu.memory_space<hbm>>) target(%dma_start3A_179 : memref<512xi32, #tpu.memory_space<vmem>>) target_semaphore(%arg8 : memref<!tpu.dma_semaphore, #tpu.memory_space<semaphore_mem>>)
    %dma_start3A_182 = arith.constant 20 : i32
    %dma_start3A_183 = arith.constant 10240 : i32
    %dma_start3A_184 = tpu.memref_slice %arg5[%dma_start3A_183] : memref<13312xi32, #tpu.memory_space<vmem>> -> memref<512xi32, #tpu.memory_space<vmem>>
    %dma_start3A_185 = tpu.memref_slice %arg2[%dma_start3A_182, %mul3A_2] : memref<26x16384xi32, #tpu.memory_space<hbm>> -> memref<1x512xi32, #tpu.memory_space<hbm>>
    %dma_start3A_186 = tpu.memref_squeeze %dma_start3A_185 : memref<1x512xi32, #tpu.memory_space<hbm>> -> memref<512xi32, #tpu.memory_space<hbm>>
    %dma_start3A_187 = arith.constant 10240 : i32
    %dma_start3A_188 = tpu.memref_slice %arg5[%dma_start3A_187] : memref<13312xi32, #tpu.memory_space<vmem>> -> memref<512xi32, #tpu.memory_space<vmem>>
    %dma_start3A_189 = tpu.memref_slice %arg2[%dma_start3A_182, %mul3A_2] : memref<26x16384xi32, #tpu.memory_space<hbm>> -> memref<1x512xi32, #tpu.memory_space<hbm>>
    %dma_start3A_190 = tpu.memref_squeeze %dma_start3A_189 : memref<1x512xi32, #tpu.memory_space<hbm>> -> memref<512xi32, #tpu.memory_space<hbm>>
    tpu.enqueue_dma source(%dma_start3A_190 : memref<512xi32, #tpu.memory_space<hbm>>) target(%dma_start3A_188 : memref<512xi32, #tpu.memory_space<vmem>>) target_semaphore(%arg8 : memref<!tpu.dma_semaphore, #tpu.memory_space<semaphore_mem>>)
    %dma_start3A_191 = arith.constant 21 : i32
    %dma_start3A_192 = arith.constant 10752 : i32
    %dma_start3A_193 = tpu.memref_slice %arg5[%dma_start3A_192] : memref<13312xi32, #tpu.memory_space<vmem>> -> memref<512xi32, #tpu.memory_space<vmem>>
    %dma_start3A_194 = tpu.memref_slice %arg2[%dma_start3A_191, %mul3A_2] : memref<26x16384xi32, #tpu.memory_space<hbm>> -> memref<1x512xi32, #tpu.memory_space<hbm>>
    %dma_start3A_195 = tpu.memref_squeeze %dma_start3A_194 : memref<1x512xi32, #tpu.memory_space<hbm>> -> memref<512xi32, #tpu.memory_space<hbm>>
    %dma_start3A_196 = arith.constant 10752 : i32
    %dma_start3A_197 = tpu.memref_slice %arg5[%dma_start3A_196] : memref<13312xi32, #tpu.memory_space<vmem>> -> memref<512xi32, #tpu.memory_space<vmem>>
    %dma_start3A_198 = tpu.memref_slice %arg2[%dma_start3A_191, %mul3A_2] : memref<26x16384xi32, #tpu.memory_space<hbm>> -> memref<1x512xi32, #tpu.memory_space<hbm>>
    %dma_start3A_199 = tpu.memref_squeeze %dma_start3A_198 : memref<1x512xi32, #tpu.memory_space<hbm>> -> memref<512xi32, #tpu.memory_space<hbm>>
    tpu.enqueue_dma source(%dma_start3A_199 : memref<512xi32, #tpu.memory_space<hbm>>) target(%dma_start3A_197 : memref<512xi32, #tpu.memory_space<vmem>>) target_semaphore(%arg8 : memref<!tpu.dma_semaphore, #tpu.memory_space<semaphore_mem>>)
    %dma_start3A_200 = arith.constant 22 : i32
    %dma_start3A_201 = arith.constant 11264 : i32
    %dma_start3A_202 = tpu.memref_slice %arg5[%dma_start3A_201] : memref<13312xi32, #tpu.memory_space<vmem>> -> memref<512xi32, #tpu.memory_space<vmem>>
    %dma_start3A_203 = tpu.memref_slice %arg2[%dma_start3A_200, %mul3A_2] : memref<26x16384xi32, #tpu.memory_space<hbm>> -> memref<1x512xi32, #tpu.memory_space<hbm>>
    %dma_start3A_204 = tpu.memref_squeeze %dma_start3A_203 : memref<1x512xi32, #tpu.memory_space<hbm>> -> memref<512xi32, #tpu.memory_space<hbm>>
    %dma_start3A_205 = arith.constant 11264 : i32
    %dma_start3A_206 = tpu.memref_slice %arg5[%dma_start3A_205] : memref<13312xi32, #tpu.memory_space<vmem>> -> memref<512xi32, #tpu.memory_space<vmem>>
    %dma_start3A_207 = tpu.memref_slice %arg2[%dma_start3A_200, %mul3A_2] : memref<26x16384xi32, #tpu.memory_space<hbm>> -> memref<1x512xi32, #tpu.memory_space<hbm>>
    %dma_start3A_208 = tpu.memref_squeeze %dma_start3A_207 : memref<1x512xi32, #tpu.memory_space<hbm>> -> memref<512xi32, #tpu.memory_space<hbm>>
    tpu.enqueue_dma source(%dma_start3A_208 : memref<512xi32, #tpu.memory_space<hbm>>) target(%dma_start3A_206 : memref<512xi32, #tpu.memory_space<vmem>>) target_semaphore(%arg8 : memref<!tpu.dma_semaphore, #tpu.memory_space<semaphore_mem>>)
    %dma_start3A_209 = arith.constant 23 : i32
    %dma_start3A_210 = arith.constant 11776 : i32
    %dma_start3A_211 = tpu.memref_slice %arg5[%dma_start3A_210] : memref<13312xi32, #tpu.memory_space<vmem>> -> memref<512xi32, #tpu.memory_space<vmem>>
    %dma_start3A_212 = tpu.memref_slice %arg2[%dma_start3A_209, %mul3A_2] : memref<26x16384xi32, #tpu.memory_space<hbm>> -> memref<1x512xi32, #tpu.memory_space<hbm>>
    %dma_start3A_213 = tpu.memref_squeeze %dma_start3A_212 : memref<1x512xi32, #tpu.memory_space<hbm>> -> memref<512xi32, #tpu.memory_space<hbm>>
    %dma_start3A_214 = arith.constant 11776 : i32
    %dma_start3A_215 = tpu.memref_slice %arg5[%dma_start3A_214] : memref<13312xi32, #tpu.memory_space<vmem>> -> memref<512xi32, #tpu.memory_space<vmem>>
    %dma_start3A_216 = tpu.memref_slice %arg2[%dma_start3A_209, %mul3A_2] : memref<26x16384xi32, #tpu.memory_space<hbm>> -> memref<1x512xi32, #tpu.memory_space<hbm>>
    %dma_start3A_217 = tpu.memref_squeeze %dma_start3A_216 : memref<1x512xi32, #tpu.memory_space<hbm>> -> memref<512xi32, #tpu.memory_space<hbm>>
    tpu.enqueue_dma source(%dma_start3A_217 : memref<512xi32, #tpu.memory_space<hbm>>) target(%dma_start3A_215 : memref<512xi32, #tpu.memory_space<vmem>>) target_semaphore(%arg8 : memref<!tpu.dma_semaphore, #tpu.memory_space<semaphore_mem>>)
    %dma_start3A_218 = arith.constant 24 : i32
    %dma_start3A_219 = arith.constant 12288 : i32
    %dma_start3A_220 = tpu.memref_slice %arg5[%dma_start3A_219] : memref<13312xi32, #tpu.memory_space<vmem>> -> memref<512xi32, #tpu.memory_space<vmem>>
    %dma_start3A_221 = tpu.memref_slice %arg2[%dma_start3A_218, %mul3A_2] : memref<26x16384xi32, #tpu.memory_space<hbm>> -> memref<1x512xi32, #tpu.memory_space<hbm>>
    %dma_start3A_222 = tpu.memref_squeeze %dma_start3A_221 : memref<1x512xi32, #tpu.memory_space<hbm>> -> memref<512xi32, #tpu.memory_space<hbm>>
    %dma_start3A_223 = arith.constant 12288 : i32
    %dma_start3A_224 = tpu.memref_slice %arg5[%dma_start3A_223] : memref<13312xi32, #tpu.memory_space<vmem>> -> memref<512xi32, #tpu.memory_space<vmem>>
    %dma_start3A_225 = tpu.memref_slice %arg2[%dma_start3A_218, %mul3A_2] : memref<26x16384xi32, #tpu.memory_space<hbm>> -> memref<1x512xi32, #tpu.memory_space<hbm>>
    %dma_start3A_226 = tpu.memref_squeeze %dma_start3A_225 : memref<1x512xi32, #tpu.memory_space<hbm>> -> memref<512xi32, #tpu.memory_space<hbm>>
    tpu.enqueue_dma source(%dma_start3A_226 : memref<512xi32, #tpu.memory_space<hbm>>) target(%dma_start3A_224 : memref<512xi32, #tpu.memory_space<vmem>>) target_semaphore(%arg8 : memref<!tpu.dma_semaphore, #tpu.memory_space<semaphore_mem>>)
    %dma_start3A_227 = arith.constant 25 : i32
    %dma_start3A_228 = arith.constant 12800 : i32
    %dma_start3A_229 = tpu.memref_slice %arg5[%dma_start3A_228] : memref<13312xi32, #tpu.memory_space<vmem>> -> memref<512xi32, #tpu.memory_space<vmem>>
    %dma_start3A_230 = tpu.memref_slice %arg2[%dma_start3A_227, %mul3A_2] : memref<26x16384xi32, #tpu.memory_space<hbm>> -> memref<1x512xi32, #tpu.memory_space<hbm>>
    %dma_start3A_231 = tpu.memref_squeeze %dma_start3A_230 : memref<1x512xi32, #tpu.memory_space<hbm>> -> memref<512xi32, #tpu.memory_space<hbm>>
    %dma_start3A_232 = arith.constant 12800 : i32
    %dma_start3A_233 = tpu.memref_slice %arg5[%dma_start3A_232] : memref<13312xi32, #tpu.memory_space<vmem>> -> memref<512xi32, #tpu.memory_space<vmem>>
    %dma_start3A_234 = tpu.memref_slice %arg2[%dma_start3A_227, %mul3A_2] : memref<26x16384xi32, #tpu.memory_space<hbm>> -> memref<1x512xi32, #tpu.memory_space<hbm>>
    %dma_start3A_235 = tpu.memref_squeeze %dma_start3A_234 : memref<1x512xi32, #tpu.memory_space<hbm>> -> memref<512xi32, #tpu.memory_space<hbm>>
    tpu.enqueue_dma source(%dma_start3A_235 : memref<512xi32, #tpu.memory_space<hbm>>) target(%dma_start3A_233 : memref<512xi32, #tpu.memory_space<vmem>>) target_semaphore(%arg8 : memref<!tpu.dma_semaphore, #tpu.memory_space<semaphore_mem>>)
    %dma_wait3A = arith.constant 0 : i32
    %dma_wait3A_236 = arith.constant 0 : i32
    %dma_wait3A_237 = tpu.memref_slice %arg5[%dma_wait3A_236] : memref<13312xi32, #tpu.memory_space<vmem>> -> memref<512xi32, #tpu.memory_space<vmem>>
    %dma_wait3A_238 = tpu.memref_slice %arg2[%dma_wait3A, %mul3A_2] : memref<26x16384xi32, #tpu.memory_space<hbm>> -> memref<1x512xi32, #tpu.memory_space<hbm>>
    %dma_wait3A_239 = tpu.memref_squeeze %dma_wait3A_238 : memref<1x512xi32, #tpu.memory_space<hbm>> -> memref<512xi32, #tpu.memory_space<hbm>>
    %dma_wait3A_240 = arith.constant 0 : i32
    %dma_wait3A_241 = tpu.memref_slice %arg5[%dma_wait3A_240] : memref<13312xi32, #tpu.memory_space<vmem>> -> memref<512xi32, #tpu.memory_space<vmem>>
    %dma_wait3A_242 = tpu.memref_slice %arg2[%dma_wait3A, %mul3A_2] : memref<26x16384xi32, #tpu.memory_space<hbm>> -> memref<1x512xi32, #tpu.memory_space<hbm>>
    %dma_wait3A_243 = tpu.memref_squeeze %dma_wait3A_242 : memref<1x512xi32, #tpu.memory_space<hbm>> -> memref<512xi32, #tpu.memory_space<hbm>>
    tpu.wait_dma2 semaphore(%arg8 : memref<!tpu.dma_semaphore, #tpu.memory_space<semaphore_mem>>) src(%dma_wait3A_243 : memref<512xi32, #tpu.memory_space<hbm>>) dst(%dma_wait3A_241 : memref<512xi32, #tpu.memory_space<vmem>>)
    %dma_wait3A_244 = arith.constant 1 : i32
    %dma_wait3A_245 = arith.constant 512 : i32
    %dma_wait3A_246 = tpu.memref_slice %arg5[%dma_wait3A_245] : memref<13312xi32, #tpu.memory_space<vmem>> -> memref<512xi32, #tpu.memory_space<vmem>>
    %dma_wait3A_247 = tpu.memref_slice %arg2[%dma_wait3A_244, %mul3A_2] : memref<26x16384xi32, #tpu.memory_space<hbm>> -> memref<1x512xi32, #tpu.memory_space<hbm>>
    %dma_wait3A_248 = tpu.memref_squeeze %dma_wait3A_247 : memref<1x512xi32, #tpu.memory_space<hbm>> -> memref<512xi32, #tpu.memory_space<hbm>>
    %dma_wait3A_249 = arith.constant 512 : i32
    %dma_wait3A_250 = tpu.memref_slice %arg5[%dma_wait3A_249] : memref<13312xi32, #tpu.memory_space<vmem>> -> memref<512xi32, #tpu.memory_space<vmem>>
    %dma_wait3A_251 = tpu.memref_slice %arg2[%dma_wait3A_244, %mul3A_2] : memref<26x16384xi32, #tpu.memory_space<hbm>> -> memref<1x512xi32, #tpu.memory_space<hbm>>
    %dma_wait3A_252 = tpu.memref_squeeze %dma_wait3A_251 : memref<1x512xi32, #tpu.memory_space<hbm>> -> memref<512xi32, #tpu.memory_space<hbm>>
    tpu.wait_dma2 semaphore(%arg8 : memref<!tpu.dma_semaphore, #tpu.memory_space<semaphore_mem>>) src(%dma_wait3A_252 : memref<512xi32, #tpu.memory_space<hbm>>) dst(%dma_wait3A_250 : memref<512xi32, #tpu.memory_space<vmem>>)
    %dma_wait3A_253 = arith.constant 2 : i32
    %dma_wait3A_254 = arith.constant 1024 : i32
    %dma_wait3A_255 = tpu.memref_slice %arg5[%dma_wait3A_254] : memref<13312xi32, #tpu.memory_space<vmem>> -> memref<512xi32, #tpu.memory_space<vmem>>
    %dma_wait3A_256 = tpu.memref_slice %arg2[%dma_wait3A_253, %mul3A_2] : memref<26x16384xi32, #tpu.memory_space<hbm>> -> memref<1x512xi32, #tpu.memory_space<hbm>>
    %dma_wait3A_257 = tpu.memref_squeeze %dma_wait3A_256 : memref<1x512xi32, #tpu.memory_space<hbm>> -> memref<512xi32, #tpu.memory_space<hbm>>
    %dma_wait3A_258 = arith.constant 1024 : i32
    %dma_wait3A_259 = tpu.memref_slice %arg5[%dma_wait3A_258] : memref<13312xi32, #tpu.memory_space<vmem>> -> memref<512xi32, #tpu.memory_space<vmem>>
    %dma_wait3A_260 = tpu.memref_slice %arg2[%dma_wait3A_253, %mul3A_2] : memref<26x16384xi32, #tpu.memory_space<hbm>> -> memref<1x512xi32, #tpu.memory_space<hbm>>
    %dma_wait3A_261 = tpu.memref_squeeze %dma_wait3A_260 : memref<1x512xi32, #tpu.memory_space<hbm>> -> memref<512xi32, #tpu.memory_space<hbm>>
    tpu.wait_dma2 semaphore(%arg8 : memref<!tpu.dma_semaphore, #tpu.memory_space<semaphore_mem>>) src(%dma_wait3A_261 : memref<512xi32, #tpu.memory_space<hbm>>) dst(%dma_wait3A_259 : memref<512xi32, #tpu.memory_space<vmem>>)
    %dma_wait3A_262 = arith.constant 3 : i32
    %dma_wait3A_263 = arith.constant 1536 : i32
    %dma_wait3A_264 = tpu.memref_slice %arg5[%dma_wait3A_263] : memref<13312xi32, #tpu.memory_space<vmem>> -> memref<512xi32, #tpu.memory_space<vmem>>
    %dma_wait3A_265 = tpu.memref_slice %arg2[%dma_wait3A_262, %mul3A_2] : memref<26x16384xi32, #tpu.memory_space<hbm>> -> memref<1x512xi32, #tpu.memory_space<hbm>>
    %dma_wait3A_266 = tpu.memref_squeeze %dma_wait3A_265 : memref<1x512xi32, #tpu.memory_space<hbm>> -> memref<512xi32, #tpu.memory_space<hbm>>
    %dma_wait3A_267 = arith.constant 1536 : i32
    %dma_wait3A_268 = tpu.memref_slice %arg5[%dma_wait3A_267] : memref<13312xi32, #tpu.memory_space<vmem>> -> memref<512xi32, #tpu.memory_space<vmem>>
    %dma_wait3A_269 = tpu.memref_slice %arg2[%dma_wait3A_262, %mul3A_2] : memref<26x16384xi32, #tpu.memory_space<hbm>> -> memref<1x512xi32, #tpu.memory_space<hbm>>
    %dma_wait3A_270 = tpu.memref_squeeze %dma_wait3A_269 : memref<1x512xi32, #tpu.memory_space<hbm>> -> memref<512xi32, #tpu.memory_space<hbm>>
    tpu.wait_dma2 semaphore(%arg8 : memref<!tpu.dma_semaphore, #tpu.memory_space<semaphore_mem>>) src(%dma_wait3A_270 : memref<512xi32, #tpu.memory_space<hbm>>) dst(%dma_wait3A_268 : memref<512xi32, #tpu.memory_space<vmem>>)
    %dma_wait3A_271 = arith.constant 4 : i32
    %dma_wait3A_272 = arith.constant 2048 : i32
    %dma_wait3A_273 = tpu.memref_slice %arg5[%dma_wait3A_272] : memref<13312xi32, #tpu.memory_space<vmem>> -> memref<512xi32, #tpu.memory_space<vmem>>
    %dma_wait3A_274 = tpu.memref_slice %arg2[%dma_wait3A_271, %mul3A_2] : memref<26x16384xi32, #tpu.memory_space<hbm>> -> memref<1x512xi32, #tpu.memory_space<hbm>>
    %dma_wait3A_275 = tpu.memref_squeeze %dma_wait3A_274 : memref<1x512xi32, #tpu.memory_space<hbm>> -> memref<512xi32, #tpu.memory_space<hbm>>
    %dma_wait3A_276 = arith.constant 2048 : i32
    %dma_wait3A_277 = tpu.memref_slice %arg5[%dma_wait3A_276] : memref<13312xi32, #tpu.memory_space<vmem>> -> memref<512xi32, #tpu.memory_space<vmem>>
    %dma_wait3A_278 = tpu.memref_slice %arg2[%dma_wait3A_271, %mul3A_2] : memref<26x16384xi32, #tpu.memory_space<hbm>> -> memref<1x512xi32, #tpu.memory_space<hbm>>
    %dma_wait3A_279 = tpu.memref_squeeze %dma_wait3A_278 : memref<1x512xi32, #tpu.memory_space<hbm>> -> memref<512xi32, #tpu.memory_space<hbm>>
    tpu.wait_dma2 semaphore(%arg8 : memref<!tpu.dma_semaphore, #tpu.memory_space<semaphore_mem>>) src(%dma_wait3A_279 : memref<512xi32, #tpu.memory_space<hbm>>) dst(%dma_wait3A_277 : memref<512xi32, #tpu.memory_space<vmem>>)
    %dma_wait3A_280 = arith.constant 5 : i32
    %dma_wait3A_281 = arith.constant 2560 : i32
    %dma_wait3A_282 = tpu.memref_slice %arg5[%dma_wait3A_281] : memref<13312xi32, #tpu.memory_space<vmem>> -> memref<512xi32, #tpu.memory_space<vmem>>
    %dma_wait3A_283 = tpu.memref_slice %arg2[%dma_wait3A_280, %mul3A_2] : memref<26x16384xi32, #tpu.memory_space<hbm>> -> memref<1x512xi32, #tpu.memory_space<hbm>>
    %dma_wait3A_284 = tpu.memref_squeeze %dma_wait3A_283 : memref<1x512xi32, #tpu.memory_space<hbm>> -> memref<512xi32, #tpu.memory_space<hbm>>
    %dma_wait3A_285 = arith.constant 2560 : i32
    %dma_wait3A_286 = tpu.memref_slice %arg5[%dma_wait3A_285] : memref<13312xi32, #tpu.memory_space<vmem>> -> memref<512xi32, #tpu.memory_space<vmem>>
    %dma_wait3A_287 = tpu.memref_slice %arg2[%dma_wait3A_280, %mul3A_2] : memref<26x16384xi32, #tpu.memory_space<hbm>> -> memref<1x512xi32, #tpu.memory_space<hbm>>
    %dma_wait3A_288 = tpu.memref_squeeze %dma_wait3A_287 : memref<1x512xi32, #tpu.memory_space<hbm>> -> memref<512xi32, #tpu.memory_space<hbm>>
    tpu.wait_dma2 semaphore(%arg8 : memref<!tpu.dma_semaphore, #tpu.memory_space<semaphore_mem>>) src(%dma_wait3A_288 : memref<512xi32, #tpu.memory_space<hbm>>) dst(%dma_wait3A_286 : memref<512xi32, #tpu.memory_space<vmem>>)
    %dma_wait3A_289 = arith.constant 6 : i32
    %dma_wait3A_290 = arith.constant 3072 : i32
    %dma_wait3A_291 = tpu.memref_slice %arg5[%dma_wait3A_290] : memref<13312xi32, #tpu.memory_space<vmem>> -> memref<512xi32, #tpu.memory_space<vmem>>
    %dma_wait3A_292 = tpu.memref_slice %arg2[%dma_wait3A_289, %mul3A_2] : memref<26x16384xi32, #tpu.memory_space<hbm>> -> memref<1x512xi32, #tpu.memory_space<hbm>>
    %dma_wait3A_293 = tpu.memref_squeeze %dma_wait3A_292 : memref<1x512xi32, #tpu.memory_space<hbm>> -> memref<512xi32, #tpu.memory_space<hbm>>
    %dma_wait3A_294 = arith.constant 3072 : i32
    %dma_wait3A_295 = tpu.memref_slice %arg5[%dma_wait3A_294] : memref<13312xi32, #tpu.memory_space<vmem>> -> memref<512xi32, #tpu.memory_space<vmem>>
    %dma_wait3A_296 = tpu.memref_slice %arg2[%dma_wait3A_289, %mul3A_2] : memref<26x16384xi32, #tpu.memory_space<hbm>> -> memref<1x512xi32, #tpu.memory_space<hbm>>
    %dma_wait3A_297 = tpu.memref_squeeze %dma_wait3A_296 : memref<1x512xi32, #tpu.memory_space<hbm>> -> memref<512xi32, #tpu.memory_space<hbm>>
    tpu.wait_dma2 semaphore(%arg8 : memref<!tpu.dma_semaphore, #tpu.memory_space<semaphore_mem>>) src(%dma_wait3A_297 : memref<512xi32, #tpu.memory_space<hbm>>) dst(%dma_wait3A_295 : memref<512xi32, #tpu.memory_space<vmem>>)
    %dma_wait3A_298 = arith.constant 7 : i32
    %dma_wait3A_299 = arith.constant 3584 : i32
    %dma_wait3A_300 = tpu.memref_slice %arg5[%dma_wait3A_299] : memref<13312xi32, #tpu.memory_space<vmem>> -> memref<512xi32, #tpu.memory_space<vmem>>
    %dma_wait3A_301 = tpu.memref_slice %arg2[%dma_wait3A_298, %mul3A_2] : memref<26x16384xi32, #tpu.memory_space<hbm>> -> memref<1x512xi32, #tpu.memory_space<hbm>>
    %dma_wait3A_302 = tpu.memref_squeeze %dma_wait3A_301 : memref<1x512xi32, #tpu.memory_space<hbm>> -> memref<512xi32, #tpu.memory_space<hbm>>
    %dma_wait3A_303 = arith.constant 3584 : i32
    %dma_wait3A_304 = tpu.memref_slice %arg5[%dma_wait3A_303] : memref<13312xi32, #tpu.memory_space<vmem>> -> memref<512xi32, #tpu.memory_space<vmem>>
    %dma_wait3A_305 = tpu.memref_slice %arg2[%dma_wait3A_298, %mul3A_2] : memref<26x16384xi32, #tpu.memory_space<hbm>> -> memref<1x512xi32, #tpu.memory_space<hbm>>
    %dma_wait3A_306 = tpu.memref_squeeze %dma_wait3A_305 : memref<1x512xi32, #tpu.memory_space<hbm>> -> memref<512xi32, #tpu.memory_space<hbm>>
    tpu.wait_dma2 semaphore(%arg8 : memref<!tpu.dma_semaphore, #tpu.memory_space<semaphore_mem>>) src(%dma_wait3A_306 : memref<512xi32, #tpu.memory_space<hbm>>) dst(%dma_wait3A_304 : memref<512xi32, #tpu.memory_space<vmem>>)
    %dma_wait3A_307 = arith.constant 8 : i32
    %dma_wait3A_308 = arith.constant 4096 : i32
    %dma_wait3A_309 = tpu.memref_slice %arg5[%dma_wait3A_308] : memref<13312xi32, #tpu.memory_space<vmem>> -> memref<512xi32, #tpu.memory_space<vmem>>
    %dma_wait3A_310 = tpu.memref_slice %arg2[%dma_wait3A_307, %mul3A_2] : memref<26x16384xi32, #tpu.memory_space<hbm>> -> memref<1x512xi32, #tpu.memory_space<hbm>>
    %dma_wait3A_311 = tpu.memref_squeeze %dma_wait3A_310 : memref<1x512xi32, #tpu.memory_space<hbm>> -> memref<512xi32, #tpu.memory_space<hbm>>
    %dma_wait3A_312 = arith.constant 4096 : i32
    %dma_wait3A_313 = tpu.memref_slice %arg5[%dma_wait3A_312] : memref<13312xi32, #tpu.memory_space<vmem>> -> memref<512xi32, #tpu.memory_space<vmem>>
    %dma_wait3A_314 = tpu.memref_slice %arg2[%dma_wait3A_307, %mul3A_2] : memref<26x16384xi32, #tpu.memory_space<hbm>> -> memref<1x512xi32, #tpu.memory_space<hbm>>
    %dma_wait3A_315 = tpu.memref_squeeze %dma_wait3A_314 : memref<1x512xi32, #tpu.memory_space<hbm>> -> memref<512xi32, #tpu.memory_space<hbm>>
    tpu.wait_dma2 semaphore(%arg8 : memref<!tpu.dma_semaphore, #tpu.memory_space<semaphore_mem>>) src(%dma_wait3A_315 : memref<512xi32, #tpu.memory_space<hbm>>) dst(%dma_wait3A_313 : memref<512xi32, #tpu.memory_space<vmem>>)
    %dma_wait3A_316 = arith.constant 9 : i32
    %dma_wait3A_317 = arith.constant 4608 : i32
    %dma_wait3A_318 = tpu.memref_slice %arg5[%dma_wait3A_317] : memref<13312xi32, #tpu.memory_space<vmem>> -> memref<512xi32, #tpu.memory_space<vmem>>
    %dma_wait3A_319 = tpu.memref_slice %arg2[%dma_wait3A_316, %mul3A_2] : memref<26x16384xi32, #tpu.memory_space<hbm>> -> memref<1x512xi32, #tpu.memory_space<hbm>>
    %dma_wait3A_320 = tpu.memref_squeeze %dma_wait3A_319 : memref<1x512xi32, #tpu.memory_space<hbm>> -> memref<512xi32, #tpu.memory_space<hbm>>
    %dma_wait3A_321 = arith.constant 4608 : i32
    %dma_wait3A_322 = tpu.memref_slice %arg5[%dma_wait3A_321] : memref<13312xi32, #tpu.memory_space<vmem>> -> memref<512xi32, #tpu.memory_space<vmem>>
    %dma_wait3A_323 = tpu.memref_slice %arg2[%dma_wait3A_316, %mul3A_2] : memref<26x16384xi32, #tpu.memory_space<hbm>> -> memref<1x512xi32, #tpu.memory_space<hbm>>
    %dma_wait3A_324 = tpu.memref_squeeze %dma_wait3A_323 : memref<1x512xi32, #tpu.memory_space<hbm>> -> memref<512xi32, #tpu.memory_space<hbm>>
    tpu.wait_dma2 semaphore(%arg8 : memref<!tpu.dma_semaphore, #tpu.memory_space<semaphore_mem>>) src(%dma_wait3A_324 : memref<512xi32, #tpu.memory_space<hbm>>) dst(%dma_wait3A_322 : memref<512xi32, #tpu.memory_space<vmem>>)
    %dma_wait3A_325 = arith.constant 10 : i32
    %dma_wait3A_326 = arith.constant 5120 : i32
    %dma_wait3A_327 = tpu.memref_slice %arg5[%dma_wait3A_326] : memref<13312xi32, #tpu.memory_space<vmem>> -> memref<512xi32, #tpu.memory_space<vmem>>
    %dma_wait3A_328 = tpu.memref_slice %arg2[%dma_wait3A_325, %mul3A_2] : memref<26x16384xi32, #tpu.memory_space<hbm>> -> memref<1x512xi32, #tpu.memory_space<hbm>>
    %dma_wait3A_329 = tpu.memref_squeeze %dma_wait3A_328 : memref<1x512xi32, #tpu.memory_space<hbm>> -> memref<512xi32, #tpu.memory_space<hbm>>
    %dma_wait3A_330 = arith.constant 5120 : i32
    %dma_wait3A_331 = tpu.memref_slice %arg5[%dma_wait3A_330] : memref<13312xi32, #tpu.memory_space<vmem>> -> memref<512xi32, #tpu.memory_space<vmem>>
    %dma_wait3A_332 = tpu.memref_slice %arg2[%dma_wait3A_325, %mul3A_2] : memref<26x16384xi32, #tpu.memory_space<hbm>> -> memref<1x512xi32, #tpu.memory_space<hbm>>
    %dma_wait3A_333 = tpu.memref_squeeze %dma_wait3A_332 : memref<1x512xi32, #tpu.memory_space<hbm>> -> memref<512xi32, #tpu.memory_space<hbm>>
    tpu.wait_dma2 semaphore(%arg8 : memref<!tpu.dma_semaphore, #tpu.memory_space<semaphore_mem>>) src(%dma_wait3A_333 : memref<512xi32, #tpu.memory_space<hbm>>) dst(%dma_wait3A_331 : memref<512xi32, #tpu.memory_space<vmem>>)
    %dma_wait3A_334 = arith.constant 11 : i32
    %dma_wait3A_335 = arith.constant 5632 : i32
    %dma_wait3A_336 = tpu.memref_slice %arg5[%dma_wait3A_335] : memref<13312xi32, #tpu.memory_space<vmem>> -> memref<512xi32, #tpu.memory_space<vmem>>
    %dma_wait3A_337 = tpu.memref_slice %arg2[%dma_wait3A_334, %mul3A_2] : memref<26x16384xi32, #tpu.memory_space<hbm>> -> memref<1x512xi32, #tpu.memory_space<hbm>>
    %dma_wait3A_338 = tpu.memref_squeeze %dma_wait3A_337 : memref<1x512xi32, #tpu.memory_space<hbm>> -> memref<512xi32, #tpu.memory_space<hbm>>
    %dma_wait3A_339 = arith.constant 5632 : i32
    %dma_wait3A_340 = tpu.memref_slice %arg5[%dma_wait3A_339] : memref<13312xi32, #tpu.memory_space<vmem>> -> memref<512xi32, #tpu.memory_space<vmem>>
    %dma_wait3A_341 = tpu.memref_slice %arg2[%dma_wait3A_334, %mul3A_2] : memref<26x16384xi32, #tpu.memory_space<hbm>> -> memref<1x512xi32, #tpu.memory_space<hbm>>
    %dma_wait3A_342 = tpu.memref_squeeze %dma_wait3A_341 : memref<1x512xi32, #tpu.memory_space<hbm>> -> memref<512xi32, #tpu.memory_space<hbm>>
    tpu.wait_dma2 semaphore(%arg8 : memref<!tpu.dma_semaphore, #tpu.memory_space<semaphore_mem>>) src(%dma_wait3A_342 : memref<512xi32, #tpu.memory_space<hbm>>) dst(%dma_wait3A_340 : memref<512xi32, #tpu.memory_space<vmem>>)
    %dma_wait3A_343 = arith.constant 12 : i32
    %dma_wait3A_344 = arith.constant 6144 : i32
    %dma_wait3A_345 = tpu.memref_slice %arg5[%dma_wait3A_344] : memref<13312xi32, #tpu.memory_space<vmem>> -> memref<512xi32, #tpu.memory_space<vmem>>
    %dma_wait3A_346 = tpu.memref_slice %arg2[%dma_wait3A_343, %mul3A_2] : memref<26x16384xi32, #tpu.memory_space<hbm>> -> memref<1x512xi32, #tpu.memory_space<hbm>>
    %dma_wait3A_347 = tpu.memref_squeeze %dma_wait3A_346 : memref<1x512xi32, #tpu.memory_space<hbm>> -> memref<512xi32, #tpu.memory_space<hbm>>
    %dma_wait3A_348 = arith.constant 6144 : i32
    %dma_wait3A_349 = tpu.memref_slice %arg5[%dma_wait3A_348] : memref<13312xi32, #tpu.memory_space<vmem>> -> memref<512xi32, #tpu.memory_space<vmem>>
    %dma_wait3A_350 = tpu.memref_slice %arg2[%dma_wait3A_343, %mul3A_2] : memref<26x16384xi32, #tpu.memory_space<hbm>> -> memref<1x512xi32, #tpu.memory_space<hbm>>
    %dma_wait3A_351 = tpu.memref_squeeze %dma_wait3A_350 : memref<1x512xi32, #tpu.memory_space<hbm>> -> memref<512xi32, #tpu.memory_space<hbm>>
    tpu.wait_dma2 semaphore(%arg8 : memref<!tpu.dma_semaphore, #tpu.memory_space<semaphore_mem>>) src(%dma_wait3A_351 : memref<512xi32, #tpu.memory_space<hbm>>) dst(%dma_wait3A_349 : memref<512xi32, #tpu.memory_space<vmem>>)
    %dma_start3A_352 = arith.constant 0 : i32
    %dma_start3A_353 = tpu.memref_slice %arg6[%dma_start3A_352] : memref<13312xf32, #tpu.memory_space<vmem>> -> memref<6656xf32, #tpu.memory_space<vmem>>
    %dma_start3A_354 = arith.constant 0 : i32
    %dma_start3A_355 = tpu.memref_slice %arg5[%dma_start3A_354] : memref<13312xi32, #tpu.memory_space<vmem>> -> memref<6656xi32, #tpu.memory_space<vmem>>
    %dma_start3A_356 = arith.constant 0 : i32
    %dma_start3A_357 = tpu.memref_slice %arg3[%dma_start3A_356] : memref<1000000xf32, #tpu.memory_space<hbm>> -> memref<1000000xf32, #tpu.memory_space<hbm>>
    tpu.enqueue_indirect_dma source(%dma_start3A_357 : memref<1000000xf32, #tpu.memory_space<hbm>>) target(%dma_start3A_353 : memref<6656xf32, #tpu.memory_space<vmem>>) offsets(%dma_start3A_355 : memref<6656xi32, #tpu.memory_space<vmem>>) semaphore(%arg9 : memref<!tpu.dma_semaphore, #tpu.memory_space<semaphore_mem>>)
    %dma_wait3A_358 = arith.constant 13 : i32
    %dma_wait3A_359 = arith.constant 6656 : i32
    %dma_wait3A_360 = tpu.memref_slice %arg5[%dma_wait3A_359] : memref<13312xi32, #tpu.memory_space<vmem>> -> memref<512xi32, #tpu.memory_space<vmem>>
    %dma_wait3A_361 = tpu.memref_slice %arg2[%dma_wait3A_358, %mul3A_2] : memref<26x16384xi32, #tpu.memory_space<hbm>> -> memref<1x512xi32, #tpu.memory_space<hbm>>
    %dma_wait3A_362 = tpu.memref_squeeze %dma_wait3A_361 : memref<1x512xi32, #tpu.memory_space<hbm>> -> memref<512xi32, #tpu.memory_space<hbm>>
    %dma_wait3A_363 = arith.constant 6656 : i32
    %dma_wait3A_364 = tpu.memref_slice %arg5[%dma_wait3A_363] : memref<13312xi32, #tpu.memory_space<vmem>> -> memref<512xi32, #tpu.memory_space<vmem>>
    %dma_wait3A_365 = tpu.memref_slice %arg2[%dma_wait3A_358, %mul3A_2] : memref<26x16384xi32, #tpu.memory_space<hbm>> -> memref<1x512xi32, #tpu.memory_space<hbm>>
    %dma_wait3A_366 = tpu.memref_squeeze %dma_wait3A_365 : memref<1x512xi32, #tpu.memory_space<hbm>> -> memref<512xi32, #tpu.memory_space<hbm>>
    tpu.wait_dma2 semaphore(%arg8 : memref<!tpu.dma_semaphore, #tpu.memory_space<semaphore_mem>>) src(%dma_wait3A_366 : memref<512xi32, #tpu.memory_space<hbm>>) dst(%dma_wait3A_364 : memref<512xi32, #tpu.memory_space<vmem>>)
    %dma_wait3A_367 = arith.constant 14 : i32
    %dma_wait3A_368 = arith.constant 7168 : i32
    %dma_wait3A_369 = tpu.memref_slice %arg5[%dma_wait3A_368] : memref<13312xi32, #tpu.memory_space<vmem>> -> memref<512xi32, #tpu.memory_space<vmem>>
    %dma_wait3A_370 = tpu.memref_slice %arg2[%dma_wait3A_367, %mul3A_2] : memref<26x16384xi32, #tpu.memory_space<hbm>> -> memref<1x512xi32, #tpu.memory_space<hbm>>
    %dma_wait3A_371 = tpu.memref_squeeze %dma_wait3A_370 : memref<1x512xi32, #tpu.memory_space<hbm>> -> memref<512xi32, #tpu.memory_space<hbm>>
    %dma_wait3A_372 = arith.constant 7168 : i32
    %dma_wait3A_373 = tpu.memref_slice %arg5[%dma_wait3A_372] : memref<13312xi32, #tpu.memory_space<vmem>> -> memref<512xi32, #tpu.memory_space<vmem>>
    %dma_wait3A_374 = tpu.memref_slice %arg2[%dma_wait3A_367, %mul3A_2] : memref<26x16384xi32, #tpu.memory_space<hbm>> -> memref<1x512xi32, #tpu.memory_space<hbm>>
    %dma_wait3A_375 = tpu.memref_squeeze %dma_wait3A_374 : memref<1x512xi32, #tpu.memory_space<hbm>> -> memref<512xi32, #tpu.memory_space<hbm>>
    tpu.wait_dma2 semaphore(%arg8 : memref<!tpu.dma_semaphore, #tpu.memory_space<semaphore_mem>>) src(%dma_wait3A_375 : memref<512xi32, #tpu.memory_space<hbm>>) dst(%dma_wait3A_373 : memref<512xi32, #tpu.memory_space<vmem>>)
    %dma_wait3A_376 = arith.constant 15 : i32
    %dma_wait3A_377 = arith.constant 7680 : i32
    %dma_wait3A_378 = tpu.memref_slice %arg5[%dma_wait3A_377] : memref<13312xi32, #tpu.memory_space<vmem>> -> memref<512xi32, #tpu.memory_space<vmem>>
    %dma_wait3A_379 = tpu.memref_slice %arg2[%dma_wait3A_376, %mul3A_2] : memref<26x16384xi32, #tpu.memory_space<hbm>> -> memref<1x512xi32, #tpu.memory_space<hbm>>
    %dma_wait3A_380 = tpu.memref_squeeze %dma_wait3A_379 : memref<1x512xi32, #tpu.memory_space<hbm>> -> memref<512xi32, #tpu.memory_space<hbm>>
    %dma_wait3A_381 = arith.constant 7680 : i32
    %dma_wait3A_382 = tpu.memref_slice %arg5[%dma_wait3A_381] : memref<13312xi32, #tpu.memory_space<vmem>> -> memref<512xi32, #tpu.memory_space<vmem>>
    %dma_wait3A_383 = tpu.memref_slice %arg2[%dma_wait3A_376, %mul3A_2] : memref<26x16384xi32, #tpu.memory_space<hbm>> -> memref<1x512xi32, #tpu.memory_space<hbm>>
    %dma_wait3A_384 = tpu.memref_squeeze %dma_wait3A_383 : memref<1x512xi32, #tpu.memory_space<hbm>> -> memref<512xi32, #tpu.memory_space<hbm>>
    tpu.wait_dma2 semaphore(%arg8 : memref<!tpu.dma_semaphore, #tpu.memory_space<semaphore_mem>>) src(%dma_wait3A_384 : memref<512xi32, #tpu.memory_space<hbm>>) dst(%dma_wait3A_382 : memref<512xi32, #tpu.memory_space<vmem>>)
    %dma_wait3A_385 = arith.constant 16 : i32
    %dma_wait3A_386 = arith.constant 8192 : i32
    %dma_wait3A_387 = tpu.memref_slice %arg5[%dma_wait3A_386] : memref<13312xi32, #tpu.memory_space<vmem>> -> memref<512xi32, #tpu.memory_space<vmem>>
    %dma_wait3A_388 = tpu.memref_slice %arg2[%dma_wait3A_385, %mul3A_2] : memref<26x16384xi32, #tpu.memory_space<hbm>> -> memref<1x512xi32, #tpu.memory_space<hbm>>
    %dma_wait3A_389 = tpu.memref_squeeze %dma_wait3A_388 : memref<1x512xi32, #tpu.memory_space<hbm>> -> memref<512xi32, #tpu.memory_space<hbm>>
    %dma_wait3A_390 = arith.constant 8192 : i32
    %dma_wait3A_391 = tpu.memref_slice %arg5[%dma_wait3A_390] : memref<13312xi32, #tpu.memory_space<vmem>> -> memref<512xi32, #tpu.memory_space<vmem>>
    %dma_wait3A_392 = tpu.memref_slice %arg2[%dma_wait3A_385, %mul3A_2] : memref<26x16384xi32, #tpu.memory_space<hbm>> -> memref<1x512xi32, #tpu.memory_space<hbm>>
    %dma_wait3A_393 = tpu.memref_squeeze %dma_wait3A_392 : memref<1x512xi32, #tpu.memory_space<hbm>> -> memref<512xi32, #tpu.memory_space<hbm>>
    tpu.wait_dma2 semaphore(%arg8 : memref<!tpu.dma_semaphore, #tpu.memory_space<semaphore_mem>>) src(%dma_wait3A_393 : memref<512xi32, #tpu.memory_space<hbm>>) dst(%dma_wait3A_391 : memref<512xi32, #tpu.memory_space<vmem>>)
    %dma_wait3A_394 = arith.constant 17 : i32
    %dma_wait3A_395 = arith.constant 8704 : i32
    %dma_wait3A_396 = tpu.memref_slice %arg5[%dma_wait3A_395] : memref<13312xi32, #tpu.memory_space<vmem>> -> memref<512xi32, #tpu.memory_space<vmem>>
    %dma_wait3A_397 = tpu.memref_slice %arg2[%dma_wait3A_394, %mul3A_2] : memref<26x16384xi32, #tpu.memory_space<hbm>> -> memref<1x512xi32, #tpu.memory_space<hbm>>
    %dma_wait3A_398 = tpu.memref_squeeze %dma_wait3A_397 : memref<1x512xi32, #tpu.memory_space<hbm>> -> memref<512xi32, #tpu.memory_space<hbm>>
    %dma_wait3A_399 = arith.constant 8704 : i32
    %dma_wait3A_400 = tpu.memref_slice %arg5[%dma_wait3A_399] : memref<13312xi32, #tpu.memory_space<vmem>> -> memref<512xi32, #tpu.memory_space<vmem>>
    %dma_wait3A_401 = tpu.memref_slice %arg2[%dma_wait3A_394, %mul3A_2] : memref<26x16384xi32, #tpu.memory_space<hbm>> -> memref<1x512xi32, #tpu.memory_space<hbm>>
    %dma_wait3A_402 = tpu.memref_squeeze %dma_wait3A_401 : memref<1x512xi32, #tpu.memory_space<hbm>> -> memref<512xi32, #tpu.memory_space<hbm>>
    tpu.wait_dma2 semaphore(%arg8 : memref<!tpu.dma_semaphore, #tpu.memory_space<semaphore_mem>>) src(%dma_wait3A_402 : memref<512xi32, #tpu.memory_space<hbm>>) dst(%dma_wait3A_400 : memref<512xi32, #tpu.memory_space<vmem>>)
    %dma_wait3A_403 = arith.constant 18 : i32
    %dma_wait3A_404 = arith.constant 9216 : i32
    %dma_wait3A_405 = tpu.memref_slice %arg5[%dma_wait3A_404] : memref<13312xi32, #tpu.memory_space<vmem>> -> memref<512xi32, #tpu.memory_space<vmem>>
    %dma_wait3A_406 = tpu.memref_slice %arg2[%dma_wait3A_403, %mul3A_2] : memref<26x16384xi32, #tpu.memory_space<hbm>> -> memref<1x512xi32, #tpu.memory_space<hbm>>
    %dma_wait3A_407 = tpu.memref_squeeze %dma_wait3A_406 : memref<1x512xi32, #tpu.memory_space<hbm>> -> memref<512xi32, #tpu.memory_space<hbm>>
    %dma_wait3A_408 = arith.constant 9216 : i32
    %dma_wait3A_409 = tpu.memref_slice %arg5[%dma_wait3A_408] : memref<13312xi32, #tpu.memory_space<vmem>> -> memref<512xi32, #tpu.memory_space<vmem>>
    %dma_wait3A_410 = tpu.memref_slice %arg2[%dma_wait3A_403, %mul3A_2] : memref<26x16384xi32, #tpu.memory_space<hbm>> -> memref<1x512xi32, #tpu.memory_space<hbm>>
    %dma_wait3A_411 = tpu.memref_squeeze %dma_wait3A_410 : memref<1x512xi32, #tpu.memory_space<hbm>> -> memref<512xi32, #tpu.memory_space<hbm>>
    tpu.wait_dma2 semaphore(%arg8 : memref<!tpu.dma_semaphore, #tpu.memory_space<semaphore_mem>>) src(%dma_wait3A_411 : memref<512xi32, #tpu.memory_space<hbm>>) dst(%dma_wait3A_409 : memref<512xi32, #tpu.memory_space<vmem>>)
    %dma_wait3A_412 = arith.constant 19 : i32
    %dma_wait3A_413 = arith.constant 9728 : i32
    %dma_wait3A_414 = tpu.memref_slice %arg5[%dma_wait3A_413] : memref<13312xi32, #tpu.memory_space<vmem>> -> memref<512xi32, #tpu.memory_space<vmem>>
    %dma_wait3A_415 = tpu.memref_slice %arg2[%dma_wait3A_412, %mul3A_2] : memref<26x16384xi32, #tpu.memory_space<hbm>> -> memref<1x512xi32, #tpu.memory_space<hbm>>
    %dma_wait3A_416 = tpu.memref_squeeze %dma_wait3A_415 : memref<1x512xi32, #tpu.memory_space<hbm>> -> memref<512xi32, #tpu.memory_space<hbm>>
    %dma_wait3A_417 = arith.constant 9728 : i32
    %dma_wait3A_418 = tpu.memref_slice %arg5[%dma_wait3A_417] : memref<13312xi32, #tpu.memory_space<vmem>> -> memref<512xi32, #tpu.memory_space<vmem>>
    %dma_wait3A_419 = tpu.memref_slice %arg2[%dma_wait3A_412, %mul3A_2] : memref<26x16384xi32, #tpu.memory_space<hbm>> -> memref<1x512xi32, #tpu.memory_space<hbm>>
    %dma_wait3A_420 = tpu.memref_squeeze %dma_wait3A_419 : memref<1x512xi32, #tpu.memory_space<hbm>> -> memref<512xi32, #tpu.memory_space<hbm>>
    tpu.wait_dma2 semaphore(%arg8 : memref<!tpu.dma_semaphore, #tpu.memory_space<semaphore_mem>>) src(%dma_wait3A_420 : memref<512xi32, #tpu.memory_space<hbm>>) dst(%dma_wait3A_418 : memref<512xi32, #tpu.memory_space<vmem>>)
    %dma_wait3A_421 = arith.constant 20 : i32
    %dma_wait3A_422 = arith.constant 10240 : i32
    %dma_wait3A_423 = tpu.memref_slice %arg5[%dma_wait3A_422] : memref<13312xi32, #tpu.memory_space<vmem>> -> memref<512xi32, #tpu.memory_space<vmem>>
    %dma_wait3A_424 = tpu.memref_slice %arg2[%dma_wait3A_421, %mul3A_2] : memref<26x16384xi32, #tpu.memory_space<hbm>> -> memref<1x512xi32, #tpu.memory_space<hbm>>
    %dma_wait3A_425 = tpu.memref_squeeze %dma_wait3A_424 : memref<1x512xi32, #tpu.memory_space<hbm>> -> memref<512xi32, #tpu.memory_space<hbm>>
    %dma_wait3A_426 = arith.constant 10240 : i32
    %dma_wait3A_427 = tpu.memref_slice %arg5[%dma_wait3A_426] : memref<13312xi32, #tpu.memory_space<vmem>> -> memref<512xi32, #tpu.memory_space<vmem>>
    %dma_wait3A_428 = tpu.memref_slice %arg2[%dma_wait3A_421, %mul3A_2] : memref<26x16384xi32, #tpu.memory_space<hbm>> -> memref<1x512xi32, #tpu.memory_space<hbm>>
    %dma_wait3A_429 = tpu.memref_squeeze %dma_wait3A_428 : memref<1x512xi32, #tpu.memory_space<hbm>> -> memref<512xi32, #tpu.memory_space<hbm>>
    tpu.wait_dma2 semaphore(%arg8 : memref<!tpu.dma_semaphore, #tpu.memory_space<semaphore_mem>>) src(%dma_wait3A_429 : memref<512xi32, #tpu.memory_space<hbm>>) dst(%dma_wait3A_427 : memref<512xi32, #tpu.memory_space<vmem>>)
    %dma_wait3A_430 = arith.constant 21 : i32
    %dma_wait3A_431 = arith.constant 10752 : i32
    %dma_wait3A_432 = tpu.memref_slice %arg5[%dma_wait3A_431] : memref<13312xi32, #tpu.memory_space<vmem>> -> memref<512xi32, #tpu.memory_space<vmem>>
    %dma_wait3A_433 = tpu.memref_slice %arg2[%dma_wait3A_430, %mul3A_2] : memref<26x16384xi32, #tpu.memory_space<hbm>> -> memref<1x512xi32, #tpu.memory_space<hbm>>
    %dma_wait3A_434 = tpu.memref_squeeze %dma_wait3A_433 : memref<1x512xi32, #tpu.memory_space<hbm>> -> memref<512xi32, #tpu.memory_space<hbm>>
    %dma_wait3A_435 = arith.constant 10752 : i32
    %dma_wait3A_436 = tpu.memref_slice %arg5[%dma_wait3A_435] : memref<13312xi32, #tpu.memory_space<vmem>> -> memref<512xi32, #tpu.memory_space<vmem>>
    %dma_wait3A_437 = tpu.memref_slice %arg2[%dma_wait3A_430, %mul3A_2] : memref<26x16384xi32, #tpu.memory_space<hbm>> -> memref<1x512xi32, #tpu.memory_space<hbm>>
    %dma_wait3A_438 = tpu.memref_squeeze %dma_wait3A_437 : memref<1x512xi32, #tpu.memory_space<hbm>> -> memref<512xi32, #tpu.memory_space<hbm>>
    tpu.wait_dma2 semaphore(%arg8 : memref<!tpu.dma_semaphore, #tpu.memory_space<semaphore_mem>>) src(%dma_wait3A_438 : memref<512xi32, #tpu.memory_space<hbm>>) dst(%dma_wait3A_436 : memref<512xi32, #tpu.memory_space<vmem>>)
    %dma_wait3A_439 = arith.constant 22 : i32
    %dma_wait3A_440 = arith.constant 11264 : i32
    %dma_wait3A_441 = tpu.memref_slice %arg5[%dma_wait3A_440] : memref<13312xi32, #tpu.memory_space<vmem>> -> memref<512xi32, #tpu.memory_space<vmem>>
    %dma_wait3A_442 = tpu.memref_slice %arg2[%dma_wait3A_439, %mul3A_2] : memref<26x16384xi32, #tpu.memory_space<hbm>> -> memref<1x512xi32, #tpu.memory_space<hbm>>
    %dma_wait3A_443 = tpu.memref_squeeze %dma_wait3A_442 : memref<1x512xi32, #tpu.memory_space<hbm>> -> memref<512xi32, #tpu.memory_space<hbm>>
    %dma_wait3A_444 = arith.constant 11264 : i32
    %dma_wait3A_445 = tpu.memref_slice %arg5[%dma_wait3A_444] : memref<13312xi32, #tpu.memory_space<vmem>> -> memref<512xi32, #tpu.memory_space<vmem>>
    %dma_wait3A_446 = tpu.memref_slice %arg2[%dma_wait3A_439, %mul3A_2] : memref<26x16384xi32, #tpu.memory_space<hbm>> -> memref<1x512xi32, #tpu.memory_space<hbm>>
    %dma_wait3A_447 = tpu.memref_squeeze %dma_wait3A_446 : memref<1x512xi32, #tpu.memory_space<hbm>> -> memref<512xi32, #tpu.memory_space<hbm>>
    tpu.wait_dma2 semaphore(%arg8 : memref<!tpu.dma_semaphore, #tpu.memory_space<semaphore_mem>>) src(%dma_wait3A_447 : memref<512xi32, #tpu.memory_space<hbm>>) dst(%dma_wait3A_445 : memref<512xi32, #tpu.memory_space<vmem>>)
    %dma_wait3A_448 = arith.constant 23 : i32
    %dma_wait3A_449 = arith.constant 11776 : i32
    %dma_wait3A_450 = tpu.memref_slice %arg5[%dma_wait3A_449] : memref<13312xi32, #tpu.memory_space<vmem>> -> memref<512xi32, #tpu.memory_space<vmem>>
    %dma_wait3A_451 = tpu.memref_slice %arg2[%dma_wait3A_448, %mul3A_2] : memref<26x16384xi32, #tpu.memory_space<hbm>> -> memref<1x512xi32, #tpu.memory_space<hbm>>
    %dma_wait3A_452 = tpu.memref_squeeze %dma_wait3A_451 : memref<1x512xi32, #tpu.memory_space<hbm>> -> memref<512xi32, #tpu.memory_space<hbm>>
    %dma_wait3A_453 = arith.constant 11776 : i32
    %dma_wait3A_454 = tpu.memref_slice %arg5[%dma_wait3A_453] : memref<13312xi32, #tpu.memory_space<vmem>> -> memref<512xi32, #tpu.memory_space<vmem>>
    %dma_wait3A_455 = tpu.memref_slice %arg2[%dma_wait3A_448, %mul3A_2] : memref<26x16384xi32, #tpu.memory_space<hbm>> -> memref<1x512xi32, #tpu.memory_space<hbm>>
    %dma_wait3A_456 = tpu.memref_squeeze %dma_wait3A_455 : memref<1x512xi32, #tpu.memory_space<hbm>> -> memref<512xi32, #tpu.memory_space<hbm>>
    tpu.wait_dma2 semaphore(%arg8 : memref<!tpu.dma_semaphore, #tpu.memory_space<semaphore_mem>>) src(%dma_wait3A_456 : memref<512xi32, #tpu.memory_space<hbm>>) dst(%dma_wait3A_454 : memref<512xi32, #tpu.memory_space<vmem>>)
    %dma_wait3A_457 = arith.constant 24 : i32
    %dma_wait3A_458 = arith.constant 12288 : i32
    %dma_wait3A_459 = tpu.memref_slice %arg5[%dma_wait3A_458] : memref<13312xi32, #tpu.memory_space<vmem>> -> memref<512xi32, #tpu.memory_space<vmem>>
    %dma_wait3A_460 = tpu.memref_slice %arg2[%dma_wait3A_457, %mul3A_2] : memref<26x16384xi32, #tpu.memory_space<hbm>> -> memref<1x512xi32, #tpu.memory_space<hbm>>
    %dma_wait3A_461 = tpu.memref_squeeze %dma_wait3A_460 : memref<1x512xi32, #tpu.memory_space<hbm>> -> memref<512xi32, #tpu.memory_space<hbm>>
    %dma_wait3A_462 = arith.constant 12288 : i32
    %dma_wait3A_463 = tpu.memref_slice %arg5[%dma_wait3A_462] : memref<13312xi32, #tpu.memory_space<vmem>> -> memref<512xi32, #tpu.memory_space<vmem>>
    %dma_wait3A_464 = tpu.memref_slice %arg2[%dma_wait3A_457, %mul3A_2] : memref<26x16384xi32, #tpu.memory_space<hbm>> -> memref<1x512xi32, #tpu.memory_space<hbm>>
    %dma_wait3A_465 = tpu.memref_squeeze %dma_wait3A_464 : memref<1x512xi32, #tpu.memory_space<hbm>> -> memref<512xi32, #tpu.memory_space<hbm>>
    tpu.wait_dma2 semaphore(%arg8 : memref<!tpu.dma_semaphore, #tpu.memory_space<semaphore_mem>>) src(%dma_wait3A_465 : memref<512xi32, #tpu.memory_space<hbm>>) dst(%dma_wait3A_463 : memref<512xi32, #tpu.memory_space<vmem>>)
    %dma_wait3A_466 = arith.constant 25 : i32
    %dma_wait3A_467 = arith.constant 12800 : i32
    %dma_wait3A_468 = tpu.memref_slice %arg5[%dma_wait3A_467] : memref<13312xi32, #tpu.memory_space<vmem>> -> memref<512xi32, #tpu.memory_space<vmem>>
    %dma_wait3A_469 = tpu.memref_slice %arg2[%dma_wait3A_466, %mul3A_2] : memref<26x16384xi32, #tpu.memory_space<hbm>> -> memref<1x512xi32, #tpu.memory_space<hbm>>
    %dma_wait3A_470 = tpu.memref_squeeze %dma_wait3A_469 : memref<1x512xi32, #tpu.memory_space<hbm>> -> memref<512xi32, #tpu.memory_space<hbm>>
    %dma_wait3A_471 = arith.constant 12800 : i32
    %dma_wait3A_472 = tpu.memref_slice %arg5[%dma_wait3A_471] : memref<13312xi32, #tpu.memory_space<vmem>> -> memref<512xi32, #tpu.memory_space<vmem>>
    %dma_wait3A_473 = tpu.memref_slice %arg2[%dma_wait3A_466, %mul3A_2] : memref<26x16384xi32, #tpu.memory_space<hbm>> -> memref<1x512xi32, #tpu.memory_space<hbm>>
    %dma_wait3A_474 = tpu.memref_squeeze %dma_wait3A_473 : memref<1x512xi32, #tpu.memory_space<hbm>> -> memref<512xi32, #tpu.memory_space<hbm>>
    tpu.wait_dma2 semaphore(%arg8 : memref<!tpu.dma_semaphore, #tpu.memory_space<semaphore_mem>>) src(%dma_wait3A_474 : memref<512xi32, #tpu.memory_space<hbm>>) dst(%dma_wait3A_472 : memref<512xi32, #tpu.memory_space<vmem>>)
    %dma_start3A_475 = arith.constant 6656 : i32
    %dma_start3A_476 = tpu.memref_slice %arg6[%dma_start3A_475] : memref<13312xf32, #tpu.memory_space<vmem>> -> memref<6656xf32, #tpu.memory_space<vmem>>
    %dma_start3A_477 = arith.constant 6656 : i32
    %dma_start3A_478 = tpu.memref_slice %arg5[%dma_start3A_477] : memref<13312xi32, #tpu.memory_space<vmem>> -> memref<6656xi32, #tpu.memory_space<vmem>>
    %dma_start3A_479 = arith.constant 0 : i32
    %dma_start3A_480 = tpu.memref_slice %arg3[%dma_start3A_479] : memref<1000000xf32, #tpu.memory_space<hbm>> -> memref<1000000xf32, #tpu.memory_space<hbm>>
    tpu.enqueue_indirect_dma source(%dma_start3A_480 : memref<1000000xf32, #tpu.memory_space<hbm>>) target(%dma_start3A_476 : memref<6656xf32, #tpu.memory_space<vmem>>) offsets(%dma_start3A_478 : memref<6656xi32, #tpu.memory_space<vmem>>) semaphore(%arg9 : memref<!tpu.dma_semaphore, #tpu.memory_space<semaphore_mem>>)
    %dma_wait3A_481 = arith.constant 0 : i32
    %dma_wait3A_482 = tpu.memref_slice %arg6[%dma_wait3A_481] : memref<13312xf32, #tpu.memory_space<vmem>> -> memref<6656xf32, #tpu.memory_space<vmem>>
    %dma_wait3A_483 = arith.constant 0 : i32
    %dma_wait3A_484 = tpu.memref_slice %arg5[%dma_wait3A_483] : memref<13312xi32, #tpu.memory_space<vmem>> -> memref<6656xi32, #tpu.memory_space<vmem>>
    %dma_wait3A_485 = arith.constant 0 : i32
    %dma_wait3A_486 = tpu.memref_slice %arg3[%dma_wait3A_485] : memref<1000000xf32, #tpu.memory_space<hbm>> -> memref<1000000xf32, #tpu.memory_space<hbm>>
    tpu.wait_indirect_dma semaphore(%arg9 : memref<!tpu.dma_semaphore, #tpu.memory_space<semaphore_mem>>) src(%dma_wait3A_486 : memref<1000000xf32, #tpu.memory_space<hbm>>) dst(%dma_wait3A_482 : memref<6656xf32, #tpu.memory_space<vmem>>)
    %scan3A = arith.constant 0 : i32
    %scan3A_487 = arith.constant 0 : i32
    %scan3A_488 = arith.constant 32 : i32
    %scan3A_489 = arith.addi %scan3A_487, %scan3A_488 : i32
    %scan3A_490 = arith.constant 1 : i32
    scf.for %scan3A_504 = %scan3A_487 to %scan3A_489 step %scan3A_490  : i32 {
      %mul3A_505 = arith.constant 16 : i32
      %mul3A_506 = arith.muli %scan3A_504, %mul3A_505 : i32
      %broadcast_in_dim3A = arith.constant 0.000000e+00 : f32
      %broadcast_in_dim3A_507 = vector.broadcast %broadcast_in_dim3A : f32 to vector<16xf32>
      %mul3A_508 = arith.constant 16 : i32
      %mul3A_509 = arith.muli %scan3A_504, %mul3A_508 : i32
      %add3A_510 = arith.constant 0 : i32
      %add3A_511 = arith.addi %add3A_510, %mul3A_509 : i32
      %get3A = arith.index_cast %add3A_511 : i32 to index
      %get3A_512 = tpu.vector_load %arg6[%get3A] {strides = array<i32>} : memref<13312xf32, #tpu.memory_space<vmem>>, vector<16xf32>,
      %add3A_513 = arith.addf %broadcast_in_dim3A_507, %get3A_512 : vector<16xf32>
      %mul3A_514 = arith.constant 16 : i32
      %mul3A_515 = arith.muli %scan3A_504, %mul3A_514 : i32
      %add3A_516 = arith.constant 512 : i32
      %add3A_517 = arith.addi %add3A_516, %mul3A_515 : i32
      %get3A_518 = arith.index_cast %add3A_517 : i32 to index
      %get3A_519 = tpu.vector_load %arg6[%get3A_518] {strides = array<i32>} : memref<13312xf32, #tpu.memory_space<vmem>>, vector<16xf32>,
      %add3A_520 = arith.addf %add3A_513, %get3A_519 : vector<16xf32>
      %mul3A_521 = arith.constant 16 : i32
      %mul3A_522 = arith.muli %scan3A_504, %mul3A_521 : i32
      %add3A_523 = arith.constant 1024 : i32
      %add3A_524 = arith.addi %add3A_523, %mul3A_522 : i32
      %get3A_525 = arith.index_cast %add3A_524 : i32 to index
      %get3A_526 = tpu.vector_load %arg6[%get3A_525] {strides = array<i32>} : memref<13312xf32, #tpu.memory_space<vmem>>, vector<16xf32>,
      %add3A_527 = arith.addf %add3A_520, %get3A_526 : vector<16xf32>
      %mul3A_528 = arith.constant 16 : i32
      %mul3A_529 = arith.muli %scan3A_504, %mul3A_528 : i32
      %add3A_530 = arith.constant 1536 : i32
      %add3A_531 = arith.addi %add3A_530, %mul3A_529 : i32
      %get3A_532 = arith.index_cast %add3A_531 : i32 to index
      %get3A_533 = tpu.vector_load %arg6[%get3A_532] {strides = array<i32>} : memref<13312xf32, #tpu.memory_space<vmem>>, vector<16xf32>,
      %add3A_534 = arith.addf %add3A_527, %get3A_533 : vector<16xf32>
      %mul3A_535 = arith.constant 16 : i32
      %mul3A_536 = arith.muli %scan3A_504, %mul3A_535 : i32
      %add3A_537 = arith.constant 2048 : i32
      %add3A_538 = arith.addi %add3A_537, %mul3A_536 : i32
      %get3A_539 = arith.index_cast %add3A_538 : i32 to index
      %get3A_540 = tpu.vector_load %arg6[%get3A_539] {strides = array<i32>} : memref<13312xf32, #tpu.memory_space<vmem>>, vector<16xf32>,
      %add3A_541 = arith.addf %add3A_534, %get3A_540 : vector<16xf32>
      %mul3A_542 = arith.constant 16 : i32
      %mul3A_543 = arith.muli %scan3A_504, %mul3A_542 : i32
      %add3A_544 = arith.constant 2560 : i32
      %add3A_545 = arith.addi %add3A_544, %mul3A_543 : i32
      %get3A_546 = arith.index_cast %add3A_545 : i32 to index
      %get3A_547 = tpu.vector_load %arg6[%get3A_546] {strides = array<i32>} : memref<13312xf32, #tpu.memory_space<vmem>>, vector<16xf32>,
      %add3A_548 = arith.addf %add3A_541, %get3A_547 : vector<16xf32>
      %mul3A_549 = arith.constant 16 : i32
      %mul3A_550 = arith.muli %scan3A_504, %mul3A_549 : i32
      %add3A_551 = arith.constant 3072 : i32
      %add3A_552 = arith.addi %add3A_551, %mul3A_550 : i32
      %get3A_553 = arith.index_cast %add3A_552 : i32 to index
      %get3A_554 = tpu.vector_load %arg6[%get3A_553] {strides = array<i32>} : memref<13312xf32, #tpu.memory_space<vmem>>, vector<16xf32>,
      %add3A_555 = arith.addf %add3A_548, %get3A_554 : vector<16xf32>
      %mul3A_556 = arith.constant 16 : i32
      %mul3A_557 = arith.muli %scan3A_504, %mul3A_556 : i32
      %add3A_558 = arith.constant 3584 : i32
      %add3A_559 = arith.addi %add3A_558, %mul3A_557 : i32
      %get3A_560 = arith.index_cast %add3A_559 : i32 to index
      %get3A_561 = tpu.vector_load %arg6[%get3A_560] {strides = array<i32>} : memref<13312xf32, #tpu.memory_space<vmem>>, vector<16xf32>,
      %add3A_562 = arith.addf %add3A_555, %get3A_561 : vector<16xf32>
      %mul3A_563 = arith.constant 16 : i32
      %mul3A_564 = arith.muli %scan3A_504, %mul3A_563 : i32
      %add3A_565 = arith.constant 4096 : i32
      %add3A_566 = arith.addi %add3A_565, %mul3A_564 : i32
      %get3A_567 = arith.index_cast %add3A_566 : i32 to index
      %get3A_568 = tpu.vector_load %arg6[%get3A_567] {strides = array<i32>} : memref<13312xf32, #tpu.memory_space<vmem>>, vector<16xf32>,
      %add3A_569 = arith.addf %add3A_562, %get3A_568 : vector<16xf32>
      %mul3A_570 = arith.constant 16 : i32
      %mul3A_571 = arith.muli %scan3A_504, %mul3A_570 : i32
      %add3A_572 = arith.constant 4608 : i32
      %add3A_573 = arith.addi %add3A_572, %mul3A_571 : i32
      %get3A_574 = arith.index_cast %add3A_573 : i32 to index
      %get3A_575 = tpu.vector_load %arg6[%get3A_574] {strides = array<i32>} : memref<13312xf32, #tpu.memory_space<vmem>>, vector<16xf32>,
      %add3A_576 = arith.addf %add3A_569, %get3A_575 : vector<16xf32>
      %mul3A_577 = arith.constant 16 : i32
      %mul3A_578 = arith.muli %scan3A_504, %mul3A_577 : i32
      %add3A_579 = arith.constant 5120 : i32
      %add3A_580 = arith.addi %add3A_579, %mul3A_578 : i32
      %get3A_581 = arith.index_cast %add3A_580 : i32 to index
      %get3A_582 = tpu.vector_load %arg6[%get3A_581] {strides = array<i32>} : memref<13312xf32, #tpu.memory_space<vmem>>, vector<16xf32>,
      %add3A_583 = arith.addf %add3A_576, %get3A_582 : vector<16xf32>
      %mul3A_584 = arith.constant 16 : i32
      %mul3A_585 = arith.muli %scan3A_504, %mul3A_584 : i32
      %add3A_586 = arith.constant 5632 : i32
      %add3A_587 = arith.addi %add3A_586, %mul3A_585 : i32
      %get3A_588 = arith.index_cast %add3A_587 : i32 to index
      %get3A_589 = tpu.vector_load %arg6[%get3A_588] {strides = array<i32>} : memref<13312xf32, #tpu.memory_space<vmem>>, vector<16xf32>,
      %add3A_590 = arith.addf %add3A_583, %get3A_589 : vector<16xf32>
      %mul3A_591 = arith.constant 16 : i32
      %mul3A_592 = arith.muli %scan3A_504, %mul3A_591 : i32
      %add3A_593 = arith.constant 6144 : i32
      %add3A_594 = arith.addi %add3A_593, %mul3A_592 : i32
      %get3A_595 = arith.index_cast %add3A_594 : i32 to index
      %get3A_596 = tpu.vector_load %arg6[%get3A_595] {strides = array<i32>} : memref<13312xf32, #tpu.memory_space<vmem>>, vector<16xf32>,
      %add3A_597 = arith.addf %add3A_590, %get3A_596 : vector<16xf32>
      %swap3A = arith.index_cast %mul3A_506 : i32 to index
      %swap3A_598 = tpu.vector_load %arg7[%swap3A] {strides = array<i32>} : memref<512xf32, #tpu.memory_space<vmem>>, vector<16xf32>,
      tpu.vector_store %arg7[%swap3A], %add3A_597 {strides = array<i32>} : memref<512xf32, #tpu.memory_space<vmem>>, vector<16xf32>,
    }
    %scan3A_491 = arith.constant 32 : i32
    %dma_wait3A_492 = arith.constant 6656 : i32
    %dma_wait3A_493 = tpu.memref_slice %arg6[%dma_wait3A_492] : memref<13312xf32, #tpu.memory_space<vmem>> -> memref<6656xf32, #tpu.memory_space<vmem>>
    %dma_wait3A_494 = arith.constant 6656 : i32
    %dma_wait3A_495 = tpu.memref_slice %arg5[%dma_wait3A_494] : memref<13312xi32, #tpu.memory_space<vmem>> -> memref<6656xi32, #tpu.memory_space<vmem>>
    %dma_wait3A_496 = arith.constant 0 : i32
    %dma_wait3A_497 = tpu.memref_slice %arg3[%dma_wait3A_496] : memref<1000000xf32, #tpu.memory_space<hbm>> -> memref<1000000xf32, #tpu.memory_space<hbm>>
    tpu.wait_indirect_dma semaphore(%arg9 : memref<!tpu.dma_semaphore, #tpu.memory_space<semaphore_mem>>) src(%dma_wait3A_497 : memref<1000000xf32, #tpu.memory_space<hbm>>) dst(%dma_wait3A_493 : memref<6656xf32, #tpu.memory_space<vmem>>)
    %scan3A_498 = arith.constant 0 : i32
    %scan3A_499 = arith.constant 0 : i32
    %scan3A_500 = arith.constant 32 : i32
    %scan3A_501 = arith.addi %scan3A_499, %scan3A_500 : i32
    %scan3A_502 = arith.constant 1 : i32
    scf.for %scan3A_504 = %scan3A_499 to %scan3A_501 step %scan3A_502  : i32 {
      %mul3A_505 = arith.constant 16 : i32
      %mul3A_506 = arith.muli %scan3A_504, %mul3A_505 : i32
      %get3A = arith.index_cast %mul3A_506 : i32 to index
      %get3A_507 = tpu.vector_load %arg7[%get3A] {strides = array<i32>} : memref<512xf32, #tpu.memory_space<vmem>>, vector<16xf32>,
      %mul3A_508 = arith.constant 16 : i32
      %mul3A_509 = arith.muli %scan3A_504, %mul3A_508 : i32
      %add3A_510 = arith.constant 6656 : i32
      %add3A_511 = arith.addi %add3A_510, %mul3A_509 : i32
      %get3A_512 = arith.index_cast %add3A_511 : i32 to index
      %get3A_513 = tpu.vector_load %arg6[%get3A_512] {strides = array<i32>} : memref<13312xf32, #tpu.memory_space<vmem>>, vector<16xf32>,
      %add3A_514 = arith.addf %get3A_507, %get3A_513 : vector<16xf32>
      %mul3A_515 = arith.constant 16 : i32
      %mul3A_516 = arith.muli %scan3A_504, %mul3A_515 : i32
      %add3A_517 = arith.constant 7168 : i32
      %add3A_518 = arith.addi %add3A_517, %mul3A_516 : i32
      %get3A_519 = arith.index_cast %add3A_518 : i32 to index
      %get3A_520 = tpu.vector_load %arg6[%get3A_519] {strides = array<i32>} : memref<13312xf32, #tpu.memory_space<vmem>>, vector<16xf32>,
      %add3A_521 = arith.addf %add3A_514, %get3A_520 : vector<16xf32>
      %mul3A_522 = arith.constant 16 : i32
      %mul3A_523 = arith.muli %scan3A_504, %mul3A_522 : i32
      %add3A_524 = arith.constant 7680 : i32
      %add3A_525 = arith.addi %add3A_524, %mul3A_523 : i32
      %get3A_526 = arith.index_cast %add3A_525 : i32 to index
      %get3A_527 = tpu.vector_load %arg6[%get3A_526] {strides = array<i32>} : memref<13312xf32, #tpu.memory_space<vmem>>, vector<16xf32>,
      %add3A_528 = arith.addf %add3A_521, %get3A_527 : vector<16xf32>
      %mul3A_529 = arith.constant 16 : i32
      %mul3A_530 = arith.muli %scan3A_504, %mul3A_529 : i32
      %add3A_531 = arith.constant 8192 : i32
      %add3A_532 = arith.addi %add3A_531, %mul3A_530 : i32
      %get3A_533 = arith.index_cast %add3A_532 : i32 to index
      %get3A_534 = tpu.vector_load %arg6[%get3A_533] {strides = array<i32>} : memref<13312xf32, #tpu.memory_space<vmem>>, vector<16xf32>,
      %add3A_535 = arith.addf %add3A_528, %get3A_534 : vector<16xf32>
      %mul3A_536 = arith.constant 16 : i32
      %mul3A_537 = arith.muli %scan3A_504, %mul3A_536 : i32
      %add3A_538 = arith.constant 8704 : i32
      %add3A_539 = arith.addi %add3A_538, %mul3A_537 : i32
      %get3A_540 = arith.index_cast %add3A_539 : i32 to index
      %get3A_541 = tpu.vector_load %arg6[%get3A_540] {strides = array<i32>} : memref<13312xf32, #tpu.memory_space<vmem>>, vector<16xf32>,
      %add3A_542 = arith.addf %add3A_535, %get3A_541 : vector<16xf32>
      %mul3A_543 = arith.constant 16 : i32
      %mul3A_544 = arith.muli %scan3A_504, %mul3A_543 : i32
      %add3A_545 = arith.constant 9216 : i32
      %add3A_546 = arith.addi %add3A_545, %mul3A_544 : i32
      %get3A_547 = arith.index_cast %add3A_546 : i32 to index
      %get3A_548 = tpu.vector_load %arg6[%get3A_547] {strides = array<i32>} : memref<13312xf32, #tpu.memory_space<vmem>>, vector<16xf32>,
      %add3A_549 = arith.addf %add3A_542, %get3A_548 : vector<16xf32>
      %mul3A_550 = arith.constant 16 : i32
      %mul3A_551 = arith.muli %scan3A_504, %mul3A_550 : i32
      %add3A_552 = arith.constant 9728 : i32
      %add3A_553 = arith.addi %add3A_552, %mul3A_551 : i32
      %get3A_554 = arith.index_cast %add3A_553 : i32 to index
      %get3A_555 = tpu.vector_load %arg6[%get3A_554] {strides = array<i32>} : memref<13312xf32, #tpu.memory_space<vmem>>, vector<16xf32>,
      %add3A_556 = arith.addf %add3A_549, %get3A_555 : vector<16xf32>
      %mul3A_557 = arith.constant 16 : i32
      %mul3A_558 = arith.muli %scan3A_504, %mul3A_557 : i32
      %add3A_559 = arith.constant 10240 : i32
      %add3A_560 = arith.addi %add3A_559, %mul3A_558 : i32
      %get3A_561 = arith.index_cast %add3A_560 : i32 to index
      %get3A_562 = tpu.vector_load %arg6[%get3A_561] {strides = array<i32>} : memref<13312xf32, #tpu.memory_space<vmem>>, vector<16xf32>,
      %add3A_563 = arith.addf %add3A_556, %get3A_562 : vector<16xf32>
      %mul3A_564 = arith.constant 16 : i32
      %mul3A_565 = arith.muli %scan3A_504, %mul3A_564 : i32
      %add3A_566 = arith.constant 10752 : i32
      %add3A_567 = arith.addi %add3A_566, %mul3A_565 : i32
      %get3A_568 = arith.index_cast %add3A_567 : i32 to index
      %get3A_569 = tpu.vector_load %arg6[%get3A_568] {strides = array<i32>} : memref<13312xf32, #tpu.memory_space<vmem>>, vector<16xf32>,
      %add3A_570 = arith.addf %add3A_563, %get3A_569 : vector<16xf32>
      %mul3A_571 = arith.constant 16 : i32
      %mul3A_572 = arith.muli %scan3A_504, %mul3A_571 : i32
      %add3A_573 = arith.constant 11264 : i32
      %add3A_574 = arith.addi %add3A_573, %mul3A_572 : i32
      %get3A_575 = arith.index_cast %add3A_574 : i32 to index
      %get3A_576 = tpu.vector_load %arg6[%get3A_575] {strides = array<i32>} : memref<13312xf32, #tpu.memory_space<vmem>>, vector<16xf32>,
      %add3A_577 = arith.addf %add3A_570, %get3A_576 : vector<16xf32>
      %mul3A_578 = arith.constant 16 : i32
      %mul3A_579 = arith.muli %scan3A_504, %mul3A_578 : i32
      %add3A_580 = arith.constant 11776 : i32
      %add3A_581 = arith.addi %add3A_580, %mul3A_579 : i32
      %get3A_582 = arith.index_cast %add3A_581 : i32 to index
      %get3A_583 = tpu.vector_load %arg6[%get3A_582] {strides = array<i32>} : memref<13312xf32, #tpu.memory_space<vmem>>, vector<16xf32>,
      %add3A_584 = arith.addf %add3A_577, %get3A_583 : vector<16xf32>
      %mul3A_585 = arith.constant 16 : i32
      %mul3A_586 = arith.muli %scan3A_504, %mul3A_585 : i32
      %add3A_587 = arith.constant 12288 : i32
      %add3A_588 = arith.addi %add3A_587, %mul3A_586 : i32
      %get3A_589 = arith.index_cast %add3A_588 : i32 to index
      %get3A_590 = tpu.vector_load %arg6[%get3A_589] {strides = array<i32>} : memref<13312xf32, #tpu.memory_space<vmem>>, vector<16xf32>,
      %add3A_591 = arith.addf %add3A_584, %get3A_590 : vector<16xf32>
      %mul3A_592 = arith.constant 16 : i32
      %mul3A_593 = arith.muli %scan3A_504, %mul3A_592 : i32
      %add3A_594 = arith.constant 12800 : i32
      %add3A_595 = arith.addi %add3A_594, %mul3A_593 : i32
      %get3A_596 = arith.index_cast %add3A_595 : i32 to index
      %get3A_597 = tpu.vector_load %arg6[%get3A_596] {strides = array<i32>} : memref<13312xf32, #tpu.memory_space<vmem>>, vector<16xf32>,
      %add3A_598 = arith.addf %add3A_591, %get3A_597 : vector<16xf32>
      %swap3A = arith.index_cast %mul3A_506 : i32 to index
      %swap3A_599 = tpu.vector_load %arg7[%swap3A] {strides = array<i32>} : memref<512xf32, #tpu.memory_space<vmem>>, vector<16xf32>,
      tpu.vector_store %arg7[%swap3A], %add3A_598 {strides = array<i32>} : memref<512xf32, #tpu.memory_space<vmem>>, vector<16xf32>,
    }
    %scan3A_503 = arith.constant 32 : i32
    "tpu.region"() ({
      %run_scoped3A = tpu.sem_alloc : memref<!tpu.dma_semaphore, #tpu.memory_space<semaphore_mem>>
      %dma_start3A_504 = tpu.memref_slice %arg4[%mul3A_2] : memref<16384xf32, #tpu.memory_space<hbm>> -> memref<512xf32, #tpu.memory_space<hbm>>
      %dma_start3A_505 = tpu.memref_slice %arg4[%mul3A_2] : memref<16384xf32, #tpu.memory_space<hbm>> -> memref<512xf32, #tpu.memory_space<hbm>>
      tpu.enqueue_dma source(%arg7 : memref<512xf32, #tpu.memory_space<vmem>>) target(%dma_start3A_505 : memref<512xf32, #tpu.memory_space<hbm>>) target_semaphore(%run_scoped3A : memref<!tpu.dma_semaphore, #tpu.memory_space<semaphore_mem>>)
      %dma_wait3A_506 = tpu.memref_slice %arg4[%mul3A_2] : memref<16384xf32, #tpu.memory_space<hbm>> -> memref<512xf32, #tpu.memory_space<hbm>>
      %dma_wait3A_507 = tpu.memref_slice %arg4[%mul3A_2] : memref<16384xf32, #tpu.memory_space<hbm>> -> memref<512xf32, #tpu.memory_space<hbm>>
      tpu.wait_dma2 semaphore(%run_scoped3A : memref<!tpu.dma_semaphore, #tpu.memory_space<semaphore_mem>>) src(%arg7 : memref<512xf32, #tpu.memory_space<vmem>>) dst(%dma_wait3A_507 : memref<512xf32, #tpu.memory_space<hbm>>)
      tpu.yield
    }) : () -> ()
    return
  }
}

</mosaic_0001>

<sc_bundles>
// kernel: kernel.3.cloned.1.call-start
scs
__scs_entry_jumppad:
0x0: {  	(pc) =	sbr.rel $0x88, $3  }
0x1: {  	(tag) =	ssettag $0x0;
	lr =	simm.s32 $0x1  }
0x2: {  	[smem:$0x3F9F] =	sst lr;
	_ =	strace $0xD0000000  }
0x3: {  	_ = 	snop  }
0x4: {  	_ = 	snop  }
0x5: {  	_ = 	snop  }
0x6: {  	_ = 	snop  }
0x7: {  	_ = 	snop  }
__scs_overlays_trampoline_lowered:
0x8: {  	[smem:$0x3FAE] =	sst s0  }
0x9: {  	[smem:$0x3FAF] =	sst s1  }
0xa: {  	[smem:$0x3FB0] =	sst s2  }
0xb: {  	[smem:$0x3FB1] =	sst s3  }
0xc: {  	[smem:$0x3FB2] =	sst s4  }
0xd: {  	[smem:$0x3FB3] =	sst s5  }
0xe: {  	[smem:$0x3FB4] =	sst s6  }
0xf: {  	[smem:$0x3FB5] =	sst s7  }
0x10: {  	[smem:$0x3FB6] =	sst s8  }
0x11: {  	[smem:$0x3FB7] =	sst s9;
	s0 =	simm.s32 @!p0 $0x0  }
0x12: {  	s1 =	sld [smem:$0x3F9D];
	s0 =	simm.s32 @p0 $0x1  }
0x13: {  	[smem:$0x3FB8] =	sst s0;
	s0 =	simm.s32 @!p1 $0x0  }
0x14: {  	s2 =	sld [smem:$0x3F9C];
	s0 =	simm.s32 @p1 $0x1  }
0x15: {  	[smem:$0x3FB9] =	sst s0;
	s0 =	simm.s32 @!p2 $0x0  }
0x16: {  	s3 =	sld [smem:$0x3FDB];
	s0 =	simm.s32 @p2 $0x1  }
0x17: {  	s4 =	simm.s32 $0x1BF5;
	[smem:$0x3FBB] =	sst s0  }
0x18: {  	s0 =	sld [smem:$0x3F9E];
	_ =	swait.ge [sflag:s4], $0x0  }
0x19: {  	s7 =	sld [smem:$0x3F9F]  }
0x1a: {  	s8 =	sadd.s32 $0xFFFFE003, lr  }
0x1b: {  	s9 =	sadd.s32 $0xFFFFFEF7, lr;
	s5 =	simm.s32 $0xFFFFFFFF;
	p2 =	slt.u32 s8, $0xFFFFF086  }
0x1c: {  	p1 =	slt.u32 s9, $0xF7A;
	s5 =	simm.s32 @!p2 $0x0  }
0x1d: {  	s5 =	simm.s32 @p1 $0x1;
	p0 =	seq.s32 s7, s2  }
0x1e: {  	s7 =	smul.u32 @!p0 $0xF7A, s2;
	p2 =	seq.s32 @!p0 s5, $0x0  }
0x1f: {  	s9 =	smul.u32 $0xF7A, s1;
	s8 =	simm.s32 @!p0 $0x1BF5;
	p2 =	por !p2, p0  }
0x20: {  	[sflag:s8] =	ssyncset.s32 @!p0 $0xFFFFF086;
	s6 =	sadd.s32 @!p0 s3, s7;
	s7 =	simm.s32 @!p0 $0x108  }
0x21: {  	s3 =	sadd.s32 s3, s9;
	s6 =	sadd.s32 @!p0 $0x88, s6;
	s7 =	simm.s32 @p2 $0x1082  }
0x22: {  	[simem:s7], [sflag:s8] =	dma.local @!p0 [hbm:s6], $0xF7A  }
0x23: {  	s9 =	sor.u32 $0xD0000000, s2;
	s6 =	simm.s32 $0x108;
	_ =	swait.ge @!p0 [sflag:s8], $0x0  }
0x24: {  	s3 =	sadd.s32 $0x88, s3;
	s6 =	simm.s32 @!p1 $0x1082;
	[sflag:s4] =	ssyncset.s32 $0xFFFFF086  }
0x25: {  	[simem:s6], [sflag:s4] =	dma.local [hbm:s3], $0xF7A  }
0x26: {  	[smem:$0x3F9F] =	sst s1;
	(tag) =	ssettag s2;
	_ =	strace s9  }
0x27: {  	s1 =	sld [smem:$0x3FAF]  }
0x28: {  	s2 =	sld [smem:$0x3FB0]  }
0x29: {  	s4 =	sld [smem:$0x3FB2]  }
0x2a: {  	p0 =	seq.s32 s5, $0x0;
	s5 =	sld [smem:$0x3FB3]  }
0x2b: {  	s6 =	sld [smem:$0x3FB4]  }
0x2c: {  	s7 =	sld [smem:$0x3FB5]  }
0x2d: {  	s3 =	simm.s32 $0x108;
	s8 =	sld [smem:$0x3FB6]  }
0x2e: {  	s3 =	simm.s32 @!p0 $0x1082;
	s9 =	sld [smem:$0x3FB7]  }
0x2f: {  	lr =	sadd.s32 s0, s3;
	s0 =	sld [smem:$0x3FAE]  }
0x30: {  	s3 =	sld [smem:$0x3FB1]  }
0x31: {  	[smem:$0x3FBA] =	sst s10  }
0x32: {  	s10 =	sld [smem:$0x3FB8];
	_ =	sdelay $0x3  }
0x33: {  	p0 =	seq.s32 s10, $0x1;
	s10 =	sld [smem:$0x3FBA];
	_ =	sdelay $0x3  }
0x34: {  	[smem:$0x3FBA] =	sst s10  }
0x35: {  	s10 =	sld [smem:$0x3FB9];
	_ =	sdelay $0x3  }
0x36: {  	p1 =	seq.s32 s10, $0x1;
	s10 =	sld [smem:$0x3FBA];
	_ =	sdelay $0x3  }
0x37: {  	[smem:$0x3FBA] =	sst s10  }
0x38: {  	s10 =	sld [smem:$0x3FBB]  }
0x39: {  	_ = 	snop;
	(pc) =	sbr.ind lr, $3  }
0x3a: {  	_ = 	snop  }
0x3b: {  	_ = 	snop  }
0x3c: {  	p2 =	seq.s32 s10, $0x1;
	s10 =	sld [smem:$0x3FBA]  }
0x3d: {  	_ =	shalt  }
0x3e: {  	_ =	shalt  }
0x3f: {  	_ =	shalt  }
0x40: {  	_ =	shalt  }
0x41: {  	_ =	shalt  }
0x42: {  	_ =	shalt  }
0x43: {  	_ =	shalt  }
0x44: {  	_ =	shalt  }
0x45: {  	_ =	shalt  }
0x46: {  	_ =	shalt  }
0x47: {  	_ =	shalt  }
0x48: {  	_ =	shalt  }
0x49: {  	_ =	shalt  }
0x4a: {  	_ =	shalt  }
0x4b: {  	_ =	shalt  }
0x4c: {  	_ =	shalt  }
0x4d: {  	_ =	shalt  }
0x4e: {  	_ =	shalt  }
0x4f: {  	_ =	shalt  }
0x50: {  	_ =	shalt  }
0x51: {  	_ =	shalt  }
0x52: {  	_ =	shalt  }
0x53: {  	_ =	shalt  }
0x54: {  	_ =	shalt  }
0x55: {  	_ =	shalt  }
0x56: {  	_ =	shalt  }
0x57: {  	_ =	shalt  }
0x58: {  	_ =	shalt  }
0x59: {  	_ =	shalt  }
0x5a: {  	_ =	shalt  }
0x5b: {  	_ =	shalt  }
0x5c: {  	_ =	shalt  }
0x5d: {  	_ =	shalt  }
0x5e: {  	_ =	shalt  }
0x5f: {  	_ =	shalt  }
0x60: {  	_ =	shalt  }
0x61: {  	_ =	shalt  }
0x62: {  	_ =	shalt  }
0x63: {  	_ =	shalt  }
0x64: {  	_ =	shalt  }
0x65: {  	_ =	shalt  }
0x66: {  	_ =	shalt  }
0x67: {  	_ =	shalt  }
0x68: {  	_ =	shalt  }
0x69: {  	_ =	shalt  }
0x6a: {  	_ =	shalt  }
0x6b: {  	_ =	shalt  }
0x6c: {  	_ =	shalt  }
0x6d: {  	_ =	shalt  }
0x6e: {  	_ =	shalt  }
0x6f: {  	_ =	shalt  }
0x70: {  	_ =	shalt  }
0x71: {  	_ =	shalt  }
0x72: {  	_ =	shalt  }
0x73: {  	_ =	shalt  }
0x74: {  	_ =	shalt  }
0x75: {  	_ =	shalt  }
0x76: {  	_ =	shalt  }
0x77: {  	_ =	shalt  }
0x78: {  	_ =	shalt  }
0x79: {  	_ =	shalt  }
0x7a: {  	_ =	shalt  }
0x7b: {  	_ =	shalt  }
0x7c: {  	_ =	shalt  }
0x7d: {  	_ =	shalt  }
0x7e: {  	_ =	shalt  }
0x7f: {  	_ =	shalt  }
0x80: {  	_ =	shalt  }
0x81: {  	_ =	shalt  }
0x82: {  	_ =	shalt  }
0x83: {  	_ =	shalt  }
0x84: {  	_ =	shalt  }
0x85: {  	_ =	shalt  }
0x86: {  	_ =	shalt  }
0x87: {  	_ =	shalt  }
.Lfunc_end0:
.L_simem_size_0:
called_computation_lowered:
.L_overlay_start_0:
0x88: {  	s2 =	sld [smem:$0x3FD9]  }
0x89: {  	s3 =	sld [smem:$0x3FFE];
	_ =	sdelay $0x1  }
0x8a: {  	s1 =	srdreg.scid  }
0x8b: {  	s0 =	sand.u32 $0x1, s1  }
0x8c: {  	s18 =	sshll.u32 s0, $0xA;
	s2 =	sadd.s32 s3, s2  }
0x8d: {  	s2 =	sadd.s32 s2, s18  }
0x8e: {  	[smem:$0x3FC6] =	sst s2  }
0x8f: {  	_ = 	snop  }
0x90: {  	s2 =	sld [smem:$0x3FC9]  }
0x91: {  	s19 =	sld [smem:$0x3FC8]  }
0x92: {  	s4 =	sld [smem:$0x3FD0];
	(tm) =	ssettm $0x1  }
0x93: {  	s5 =	sld [smem:$0x3FFB];
	_ =	sdelay $0x3  }
0x94: {  	_ =	strace s5  }
0x95: {  	s5 =	sld [smem:$0x3FFC];
	_ =	sdelay $0x3  }
0x96: {  	_ =	strace s5  }
0x97: {  	s5 =	sld [smem:$0x3FFD];
	_ =	sdelay $0x3  }
0x98: {  	_ =	strace s5  }
0x99: {  	_ =	strace $0x8FFFFFFF  }
0x9a: {  	s20 =	sld [smem:$0x3FDB];
	_ =	sdelay $0x1  }
0x9b: {  	s6 =	simm.s32 $_scs_section_size  }
0x9c: {  	s7 =	simm.s32 $_size__tile_overlayer_lowered;
	s8 =	simm.s32 $_tile_overlayer_lowered  }
0x9d: {  	s23 =	simm.s32 $0x1BFF;
	s22 =	sshll.u32 s8, $0x1;
	s5 =	sadd.s32 s6, s20  }
0x9e: {  	s9 =	simm.s32 $0x0;
	s21 =	sshll.u32 s7, $0x1;
	s7 =	sadd.s32 s22, s5  }
0x9f: {  	[timem:s9], [sflag:s23] =	dma.local [hbm:s7], s21  }
0xa0: {  	_ =	swait.ge [sflag:s23], s21  }
0xa1: {  	s6 =	ssub.s32 $0x0, s21;
	[sflag:s23] =	ssyncset.done $0x0  }
0xa2: {  	[sflag:s23] =	ssyncadd.s32 s6;
	_ =	sdelay $0x1  }
0xa3: {  	s24 =	simm.s32 $0x1B8B  }
0xa4: {  	_ =	swait.ge [sflag:s24], $0x1  }
0xa5: {  	[sflag:s24] =	ssyncset.done $0x0  }
0xa6: {  	s25 =	simm.s32 $0x1B8E;
	[sflag:s24] =	ssyncadd.s32 $0xFFFFFFFF  }
0xa7: {  	s26 =	simm.s32 $execute0_lowered;
	[smem:$0x3FD2] =	sst s25  }
0xa8: {  	s6 =	sshll.u32 s26, $0x1;
	_ =	strace $0x80000046;
	[dreg:$0x1] =	wrdreg $0xFFFFFFFF  }
0xa9: {  	s28 =	simm.s32 $_size_execute0_lowered;
	s5 =	sadd.s32 s5, s6;
	[dreg:$0x0] =	wrdreg $0x0  }
0xaa: {  	s6 =	sshll.u32 s28, $0x1;
	[dreg:$0x2] =	wrdreg s5  }
0xab: {  	[dreg:$0x3] =	wrdreg s6  }
0xac: {  	[dreg:$0x4] =	wrdreg $0xC0  }
0xad: {  	_ =	task [dreg:s9], $0x5FFFF  }
0xae: {  	[dreg:$0x1] =	wrdreg $0xFFFFFFFF  }
0xaf: {  	[dreg:$0x0] =	wrdreg $0x60  }
0xb0: {  	[dreg:$0x2] =	wrdreg s2  }
0xb1: {  	[dreg:$0x3] =	wrdreg s19  }
0xb2: {  	[dreg:$0x4] =	wrdreg s4  }
0xb3: {  	[dreg:$0x5] =	wrdreg $0x9  }
0xb4: {  	_ =	task.clear_ibuf [dreg:s9], $0x6FFFF;
	_ =	strace $0x90000046  }
0xb5: {  	s29 =	simm.s32 $0x9;
	_ =	strace $0x80000048  }
0xb6: {  	_ =	swait.ge [sflag:s29], $0x1  }
0xb7: {  	[sflag:s29] =	ssyncadd.s32 $0xFFFFFFFF  }
0xb8: {  	_ =	strace $0x90000048  }
0xb9: {  	_ =	sfence  }
0xba: {  	s30 =	sld [smem:$0x0];
	_ =	sdelay $0x2  }
0xbb: {  	s31 =	sshll.u32 s1, $0xD;
	s1 =	sshrl.u32 s1, $0x2  }
0xbc: {  	s3 =	sand.u32 $0x4000, s31;
	s1 =	sadd.s32 s1, s30  }
0xbd: {  	s0 =	sor.u32 s3, s0;
	s1 =	sshll.u32 s1, $0x11  }
0xbe: {  	s0 =	sor.u32 s1, s0  }
0xbf: {  	s0 =	sadd.s32 $0x8F2B, s0  }
0xc0: {  	[sflag:s0] =	ssyncadd.remote.s32 $0x1  }
0xc1: {  	_ =	sfence.sel $0xFFFF  }
0xc2: {  	[dreg:$0x0] =	wrdreg $0xFFFFFFFF;
	(pc) =	sbr.abs _section_cstart, $3  }
0xc3: {  	[dreg:$0x1] =	wrdreg $0xFFFFFFFF  }
0xc4: {  	_ =	task.clear_ibuf [dreg:s9], $0x2FFFF;
	_ =	strace $0x9FFFFFFF  }
0xc5: {  	(tm) =	ssettm $0x7FFFFFFF  }
tec
execute0_lowered:
.L_overlay_start_1:
0x0: {  	(tag) =	ssettag $0x1  }
0x1: {  	s0 =	rddreg [dreg:$0x0];
	s2 =	srdreg.scid  }
0x2: {  	s1 =	rddreg [dreg:$0x2];
	s5 =	stileid.u32;
	s2 =	sand.u32 $0x1, s2  }
0x3: {  	s5 =	sshll.u32 s5, $0xA;
	s4 =	ssub.s32 $0x2, s2;
	s2 =	sshll.u32 s2, $0x9  }
0x4: {  	s3 =	simm.s32 $0x0;
	s6 =	sshrl.u32 s4, $0x1;
	s2 =	sor.u32 s2, s5  }
0x5: {  	s7 =	simm.s32 $0x2;
	s15 =	ssub.s32 s4, s6;
	s4 =	sadd.s32 s0, s2  }
0x6: {  	s8 =	simm.s32 $0x6800;
	[smem:$0x7FF] =	sst s3;
	s0 =	sadd.s32 $0x10, s4  }
0x7: {  	_ =	strace $0x80000047;
	s16 =	sadd.s32 $0x20, s4;
	[dreg:$0x4] =	wrdreg s0  }
0x8: {  	s9 =	simm.s32 $0x3;
	s17 =	sadd.s32 $0x30, s4;
	[dreg:$0x5] =	wrdreg s16  }
0x9: {  	s10 =	simm.s32 $0x0;
	s18 =	sadd.s32 $0x40, s4;
	[dreg:$0x6] =	wrdreg s17  }
0xa: {  	s5 =	simm.s32 $0x1A00;
	s19 =	sadd.s32 $0x50, s4;
	[dreg:$0x7] =	wrdreg s18  }
0xb: {  	s26 =	sshrl.u32 s2, $0x3;
	s20 =	sadd.s32 $0x60, s4;
	[dreg:$0x8] =	wrdreg s19  }
0xc: {  	s2 =	simm.s32 $0x80;
	s21 =	sadd.s32 $0x70, s4;
	[dreg:$0x9] =	wrdreg s20  }
0xd: {  	s6 =	simm.s32 $0x1;
	s22 =	sadd.s32 $0x4000, s4;
	[dreg:$0xa] =	wrdreg s21  }
0xe: {  	s23 =	sadd.s32 $0x4010, s4;
	s24 =	sadd.s32 $0x4020, s4;
	[dreg:$0xb] =	wrdreg s22  }
0xf: {  	s25 =	sadd.s32 $0x4030, s4;
	s28 =	sadd.s32 $0x8050, s4;
	[dreg:$0xc] =	wrdreg s23  }
0x10: {  	s29 =	sadd.s32 $0x8060, s4;
	s30 =	sadd.s32 $0x8070, s4;
	[dreg:$0xd] =	wrdreg s24  }
0x11: {  	s31 =	sadd.s32 $0xC000, s4;
	[dreg:$0xe] =	wrdreg s25;
	s16 =	sadd.s32 $0x4040, s4  }
0x12: {  	s17 =	sadd.s32 $0x4050, s4;
	s18 =	sadd.s32 $0x4060, s4;
	s19 =	sadd.s32 $0x4070, s4  }
0x13: {  	s20 =	sadd.s32 $0x8000, s4;
	s21 =	sadd.s32 $0x8010, s4;
	s22 =	sadd.s32 $0x8020, s4  }
0x14: {  	s23 =	sadd.s32 s1, s26;
	s24 =	sadd.s32 $0x8030, s4;
	s25 =	smax.u32 s15, $0x1  }
0x15: {  	s26 =	sadd.s32 $0x8040, s4;
	s0 =	sadd.s32 $0xC010, s4;
	s1 =	simm.s32 $0x400  }
.LBB2_1:
0x16: {  	[tilespmem:s3], [sflag:$0x1] =	stream.strided.gather [hbm4b:s4+s2], $0x200, s1, s2, $0x38;
	[tilespmem:$0x6A00] =	vst v63  }
0x17: {  	s11 =	rddreg [dreg:$0x4];
	s12 =	simm.s32 $0x200  }
0x18: {  	[tilespmem:s12], [sflag:$0x1] =	stream.strided.gather [hbm4b:s11+s2], $0x200, s1, s2, $0x38;
	[tilespmem:$0x6A00] =	vst v63  }
0x19: {  	s15 =	rddreg [dreg:$0x5]  }
0x1a: {  	[tilespmem:s1], [sflag:$0x1] =	stream.strided.gather [hbm4b:s15+s2], $0x200, s1, s2, $0x38;
	[tilespmem:$0x6A00] =	vst v63  }
0x1b: {  	s13 =	simm.s32 $0x600;
	s12 =	rddreg [dreg:$0x6]  }
0x1c: {  	[tilespmem:s13], [sflag:$0x1] =	stream.strided.gather [hbm4b:s12+s2], $0x200, s1, s2, $0x38;
	[tilespmem:$0x6A00] =	vst v63  }
0x1d: {  	s14 =	rddreg [dreg:$0x7];
	s15 =	simm.s32 $0x800  }
0x1e: {  	[tilespmem:s15], [sflag:$0x1] =	stream.strided.gather [hbm4b:s14+s2], $0x200, s1, s2, $0x38;
	[tilespmem:$0x6A00] =	vst v63  }
0x1f: {  	s12 =	rddreg [dreg:$0x8];
	s13 =	simm.s32 $0xA00  }
0x20: {  	[tilespmem:s13], [sflag:$0x1] =	stream.strided.gather [hbm4b:s12+s2], $0x200, s1, s2, $0x38;
	[tilespmem:$0x6A00] =	vst v63  }
0x21: {  	s14 =	rddreg [dreg:$0x9];
	s15 =	simm.s32 $0xC00  }
0x22: {  	[tilespmem:s15], [sflag:$0x1] =	stream.strided.gather [hbm4b:s14+s2], $0x200, s1, s2, $0x38;
	[tilespmem:$0x6A00] =	vst v63  }
0x23: {  	s12 =	rddreg [dreg:$0xa];
	s13 =	simm.s32 $0xE00  }
0x24: {  	[tilespmem:s13], [sflag:$0x1] =	stream.strided.gather [hbm4b:s12+s2], $0x200, s1, s2, $0x38;
	[tilespmem:$0x6A00] =	vst v63  }
0x25: {  	s14 =	rddreg [dreg:$0xb];
	s15 =	simm.s32 $0x1000  }
0x26: {  	[tilespmem:s15], [sflag:$0x1] =	stream.strided.gather [hbm4b:s14+s2], $0x200, s1, s2, $0x38;
	[tilespmem:$0x6A00] =	vst v63  }
0x27: {  	s12 =	rddreg [dreg:$0xc];
	s13 =	simm.s32 $0x1200  }
0x28: {  	[tilespmem:s13], [sflag:$0x1] =	stream.strided.gather [hbm4b:s12+s2], $0x200, s1, s2, $0x38;
	[tilespmem:$0x6A00] =	vst v63  }
0x29: {  	s14 =	rddreg [dreg:$0xd];
	s15 =	simm.s32 $0x1400  }
0x2a: {  	[tilespmem:s15], [sflag:$0x1] =	stream.strided.gather [hbm4b:s14+s2], $0x200, s1, s2, $0x38;
	[tilespmem:$0x6A00] =	vst v63  }
0x2b: {  	s12 =	rddreg [dreg:$0xe];
	s13 =	simm.s32 $0x1600  }
0x2c: {  	[tilespmem:s13], [sflag:$0x1] =	stream.strided.gather [hbm4b:s12+s2], $0x200, s1, s2, $0x38;
	[tilespmem:$0x6A00] =	vst v63  }
0x2d: {  	s14 =	simm.s32 $0x1800  }
0x2e: {  	[tilespmem:s14], [sflag:$0x1] =	stream.strided.gather [hbm4b:s16+s2], $0x200, s1, s2, $0x38;
	[tilespmem:$0x6A00] =	vst v63  }
0x2f: {  	_ = 	snop  }
0x30: {  	[tilespmem:s5], [sflag:$0x1] =	stream.strided.gather [hbm4b:s17+s2], $0x200, s1, s2, $0x38;
	[tilespmem:$0x6A00] =	vst v63  }
0x31: {  	s15 =	simm.s32 $0x1C00  }
0x32: {  	[tilespmem:s15], [sflag:$0x1] =	stream.strided.gather [hbm4b:s18+s2], $0x200, s1, s2, $0x38;
	[tilespmem:$0x6A00] =	vst v63  }
0x33: {  	s12 =	simm.s32 $0x1E00  }
0x34: {  	[tilespmem:s12], [sflag:$0x1] =	stream.strided.gather [hbm4b:s19+s2], $0x200, s1, s2, $0x38;
	[tilespmem:$0x6A00] =	vst v63  }
0x35: {  	s13 =	simm.s32 $0x2000  }
0x36: {  	[tilespmem:s13], [sflag:$0x1] =	stream.strided.gather [hbm4b:s20+s2], $0x200, s1, s2, $0x38;
	[tilespmem:$0x6A00] =	vst v63  }
0x37: {  	s14 =	simm.s32 $0x2200  }
0x38: {  	[tilespmem:s14], [sflag:$0x1] =	stream.strided.gather [hbm4b:s21+s2], $0x200, s1, s2, $0x38;
	[tilespmem:$0x6A00] =	vst v63  }
0x39: {  	s15 =	simm.s32 $0x2400  }
0x3a: {  	[tilespmem:s15], [sflag:$0x1] =	stream.strided.gather [hbm4b:s22+s2], $0x200, s1, s2, $0x38;
	[tilespmem:$0x6A00] =	vst v63  }
0x3b: {  	s12 =	simm.s32 $0x2600  }
0x3c: {  	[tilespmem:s12], [sflag:$0x1] =	stream.strided.gather [hbm4b:s24+s2], $0x200, s1, s2, $0x38;
	[tilespmem:$0x6A00] =	vst v63  }
0x3d: {  	s13 =	simm.s32 $0x2800  }
0x3e: {  	[tilespmem:s13], [sflag:$0x1] =	stream.strided.gather [hbm4b:s26+s2], $0x200, s1, s2, $0x38;
	[tilespmem:$0x6A00] =	vst v63  }
0x3f: {  	s14 =	simm.s32 $0x2A00  }
0x40: {  	[tilespmem:s14], [sflag:$0x1] =	stream.strided.gather [hbm4b:s28+s2], $0x200, s1, s2, $0x38;
	[tilespmem:$0x6A00] =	vst v63  }
0x41: {  	s15 =	simm.s32 $0x2C00  }
0x42: {  	[tilespmem:s15], [sflag:$0x1] =	stream.strided.gather [hbm4b:s29+s2], $0x200, s1, s2, $0x38;
	[tilespmem:$0x6A00] =	vst v63  }
0x43: {  	s12 =	simm.s32 $0x2E00  }
0x44: {  	[tilespmem:s12], [sflag:$0x1] =	stream.strided.gather [hbm4b:s30+s2], $0x200, s1, s2, $0x38;
	[tilespmem:$0x6A00] =	vst v63  }
0x45: {  	s13 =	simm.s32 $0x3000  }
0x46: {  	[tilespmem:s13], [sflag:$0x1] =	stream.strided.gather [hbm4b:s31+s2], $0x200, s1, s2, $0x38;
	[tilespmem:$0x6A00] =	vst v63  }
0x47: {  	s14 =	simm.s32 $0x3200  }
0x48: {  	[tilespmem:s14], [sflag:$0x1] =	stream.strided.gather [hbm4b:s0+s2], $0x200, s1, s2, $0x38;
	[tilespmem:$0x6A00] =	vst v63  }
0x49: {  	_ =	swait.ge [sflag:s6], $0x200  }
0x4a: {  	[sflag:s6] =	ssyncset.done $0x0  }
0x4b: {  	[sflag:s6] =	ssyncadd.s32 $0xFFFFFE00  }
0x4c: {  	_ =	swait.ge [sflag:s6], $0x200  }
0x4d: {  	[sflag:s6] =	ssyncset.done $0x0  }
0x4e: {  	[sflag:s6] =	ssyncadd.s32 $0xFFFFFE00  }
0x4f: {  	_ =	swait.ge [sflag:s6], $0x200  }
0x50: {  	[sflag:s6] =	ssyncset.done $0x0  }
0x51: {  	[sflag:s6] =	ssyncadd.s32 $0xFFFFFE00  }
0x52: {  	_ =	swait.ge [sflag:s6], $0x200  }
0x53: {  	[sflag:s6] =	ssyncset.done $0x0  }
0x54: {  	[sflag:s6] =	ssyncadd.s32 $0xFFFFFE00  }
0x55: {  	_ =	swait.ge [sflag:s6], $0x200  }
0x56: {  	[sflag:s6] =	ssyncset.done $0x0  }
0x57: {  	[sflag:s6] =	ssyncadd.s32 $0xFFFFFE00  }
0x58: {  	_ =	swait.ge [sflag:s6], $0x200  }
0x59: {  	[sflag:s6] =	ssyncset.done $0x0  }
0x5a: {  	[sflag:s6] =	ssyncadd.s32 $0xFFFFFE00  }
0x5b: {  	_ =	swait.ge [sflag:s6], $0x200  }
0x5c: {  	[sflag:s6] =	ssyncset.done $0x0  }
0x5d: {  	[sflag:s6] =	ssyncadd.s32 $0xFFFFFE00  }
0x5e: {  	_ =	swait.ge [sflag:s6], $0x200  }
0x5f: {  	[sflag:s6] =	ssyncset.done $0x0  }
0x60: {  	[sflag:s6] =	ssyncadd.s32 $0xFFFFFE00  }
0x61: {  	_ =	swait.ge [sflag:s6], $0x200  }
0x62: {  	[sflag:s6] =	ssyncset.done $0x0  }
0x63: {  	[sflag:s6] =	ssyncadd.s32 $0xFFFFFE00  }
0x64: {  	_ =	swait.ge [sflag:s6], $0x200  }
0x65: {  	[sflag:s6] =	ssyncset.done $0x0  }
0x66: {  	[sflag:s6] =	ssyncadd.s32 $0xFFFFFE00  }
0x67: {  	_ =	swait.ge [sflag:s6], $0x200  }
0x68: {  	[sflag:s6] =	ssyncset.done $0x0  }
0x69: {  	[sflag:s6] =	ssyncadd.s32 $0xFFFFFE00  }
0x6a: {  	_ =	swait.ge [sflag:s6], $0x200  }
0x6b: {  	[sflag:s6] =	ssyncset.done $0x0  }
0x6c: {  	[sflag:s6] =	ssyncadd.s32 $0xFFFFFE00  }
0x6d: {  	_ =	swait.ge [sflag:s6], $0x200  }
0x6e: {  	[sflag:s6] =	ssyncset.done $0x0  }
0x6f: {  	[sflag:s6] =	ssyncadd.s32 $0xFFFFFE00  }
0x70: {  	s15 =	simm.s32 $0x3400;
	s14 =	rddreg [dreg:$0x1]  }
0x71: {  	[tilespmem:s15], [sflag:$0x2] =	stream.indirect.gather [hbm4b:s14+s5], $0x1, s3, s5, $0xb8;
	[tilespmem:$0x6A00] =	vst v63  }
0x72: {  	_ =	swait.ge [sflag:s6], $0x200  }
0x73: {  	[sflag:s6] =	ssyncset.done $0x0  }
0x74: {  	[sflag:s6] =	ssyncadd.s32 $0xFFFFFE00  }
0x75: {  	_ =	swait.ge [sflag:s6], $0x200  }
0x76: {  	[sflag:s6] =	ssyncset.done $0x0  }
0x77: {  	[sflag:s6] =	ssyncadd.s32 $0xFFFFFE00  }
0x78: {  	_ =	swait.ge [sflag:s6], $0x200  }
0x79: {  	[sflag:s6] =	ssyncset.done $0x0  }
0x7a: {  	[sflag:s6] =	ssyncadd.s32 $0xFFFFFE00  }
0x7b: {  	_ =	swait.ge [sflag:s6], $0x200  }
0x7c: {  	[sflag:s6] =	ssyncset.done $0x0  }
0x7d: {  	[sflag:s6] =	ssyncadd.s32 $0xFFFFFE00  }
0x7e: {  	_ =	swait.ge [sflag:s6], $0x200  }
0x7f: {  	[sflag:s6] =	ssyncset.done $0x0  }
0x80: {  	[sflag:s6] =	ssyncadd.s32 $0xFFFFFE00  }
0x81: {  	_ =	swait.ge [sflag:s6], $0x200  }
0x82: {  	[sflag:s6] =	ssyncset.done $0x0  }
0x83: {  	[sflag:s6] =	ssyncadd.s32 $0xFFFFFE00  }
0x84: {  	_ =	swait.ge [sflag:s6], $0x200  }
0x85: {  	[sflag:s6] =	ssyncset.done $0x0  }
0x86: {  	[sflag:s6] =	ssyncadd.s32 $0xFFFFFE00  }
0x87: {  	_ =	swait.ge [sflag:s6], $0x200  }
0x88: {  	[sflag:s6] =	ssyncset.done $0x0  }
0x89: {  	[sflag:s6] =	ssyncadd.s32 $0xFFFFFE00  }
0x8a: {  	_ =	swait.ge [sflag:s6], $0x200  }
0x8b: {  	[sflag:s6] =	ssyncset.done $0x0  }
0x8c: {  	[sflag:s6] =	ssyncadd.s32 $0xFFFFFE00  }
0x8d: {  	_ =	swait.ge [sflag:s6], $0x200  }
0x8e: {  	[sflag:s6] =	ssyncset.done $0x0  }
0x8f: {  	[sflag:s6] =	ssyncadd.s32 $0xFFFFFE00  }
0x90: {  	_ =	swait.ge [sflag:s6], $0x200  }
0x91: {  	[sflag:s6] =	ssyncset.done $0x0  }
0x92: {  	[sflag:s6] =	ssyncadd.s32 $0xFFFFFE00  }
0x93: {  	_ =	swait.ge [sflag:s6], $0x200  }
0x94: {  	[sflag:s6] =	ssyncset.done $0x0  }
0x95: {  	[sflag:s6] =	ssyncadd.s32 $0xFFFFFE00  }
0x96: {  	_ =	swait.ge [sflag:s6], $0x200  }
0x97: {  	[sflag:s6] =	ssyncset.done $0x0  }
0x98: {  	s13 =	simm.s32 $0x4E00;
	[sflag:s6] =	ssyncadd.s32 $0xFFFFFE00  }
0x99: {  	[tilespmem:s13], [sflag:$0x2] =	stream.indirect.gather [hbm4b:s14+s5], $0x1, s5, s5, $0xb8;
	[tilespmem:$0x6A00] =	vst v63  }
0x9a: {  	_ =	swait.ge [sflag:s7], $0x1A00  }
0x9b: {  	[sflag:s7] =	ssyncset.done $0x0  }
0x9c: {  	[sflag:s7] =	ssyncadd.s32 $0xFFFFE600  }
0x9d: {  	v0 =	vld [tilespmem:s15+$0x0]  }
0x9e: {  	s15 =	sand.u32 $0x1F0, s3  }
0x9f: {  	v1 =	vld [tilespmem:s15+$0x3600];
	_ =	sdelay $0x1  }
0xa0: {  	v2 =	vld [tilespmem:s15+$0x3800]  }
0xa1: {  	v0 =	vadd.f32 $0.0e+00, v0  }
0xa2: {  	v3 =	vld [tilespmem:s15+$0x3A00]  }
0xa3: {  	v0 =	vadd.f32 v1, v0  }
0xa4: {  	v1 =	vld [tilespmem:s15+$0x3C00]  }
0xa5: {  	v0 =	vadd.f32 v2, v0  }
0xa6: {  	v2 =	vld [tilespmem:s15+$0x3E00]  }
0xa7: {  	v0 =	vadd.f32 v3, v0  }
0xa8: {  	v3 =	vld [tilespmem:s15+$0x4000]  }
0xa9: {  	v0 =	vadd.f32 v1, v0  }
0xaa: {  	v1 =	vld [tilespmem:s15+$0x4200]  }
0xab: {  	v0 =	vadd.f32 v2, v0  }
0xac: {  	v2 =	vld [tilespmem:s15+$0x4400]  }
0xad: {  	v0 =	vadd.f32 v3, v0  }
0xae: {  	v3 =	vld [tilespmem:s15+$0x4600]  }
0xaf: {  	v0 =	vadd.f32 v1, v0  }
0xb0: {  	v1 =	vld [tilespmem:s15+$0x4800]  }
0xb1: {  	v0 =	vadd.f32 v2, v0  }
0xb2: {  	v2 =	vld [tilespmem:s15+$0x4A00]  }
0xb3: {  	v0 =	vadd.f32 v3, v0  }
0xb4: {  	v3 =	vld [tilespmem:s15+$0x4C00]  }
0xb5: {  	v0 =	vadd.f32 v1, v0;
	_ =	sdelay $0x1  }
0xb6: {  	v0 =	vadd.f32 v2, v0;
	_ =	sdelay $0x1  }
0xb7: {  	v0 =	vadd.f32 v3, v0;
	_ =	sdelay $0x1  }
0xb8: {  	s12 =	simm.s32 $0x3410;
	[tilespmem:s8+$0x0] =	vst v0  }
0xb9: {  	s11 =	simm.s32 $0x6800;
	s13 =	simm.s32 $0x10;
	s14 =	simm.s32 $0x20;
	v0 =	vld [tilespmem:s12+$0x0]  }
.LBB2_2:
0xba: {  	p0 =	sne.s32 s14, $0x1F0;
	s15 =	sand.u32 $0x1F0, s13;
	s13 =	smov.u32 s14  }
0xbb: {  	v1 =	vld [tilespmem:s15+$0x3600];
	_ =	sdelay $0x1  }
0xbc: {  	v2 =	vld [tilespmem:s15+$0x3800]  }
0xbd: {  	v0 =	vadd.f32 $0.0e+00, v0  }
0xbe: {  	v3 =	vld [tilespmem:s15+$0x3A00]  }
0xbf: {  	v0 =	vadd.f32 v1, v0  }
0xc0: {  	v1 =	vld [tilespmem:s15+$0x3C00]  }
0xc1: {  	v0 =	vadd.f32 v2, v0  }
0xc2: {  	v2 =	vld [tilespmem:s15+$0x3E00]  }
0xc3: {  	v0 =	vadd.f32 v3, v0  }
0xc4: {  	v3 =	vld [tilespmem:s15+$0x4000]  }
0xc5: {  	v0 =	vadd.f32 v1, v0  }
0xc6: {  	v1 =	vld [tilespmem:s15+$0x4200]  }
0xc7: {  	v0 =	vadd.f32 v2, v0  }
0xc8: {  	v2 =	vld [tilespmem:s15+$0x4400]  }
0xc9: {  	v0 =	vadd.f32 v3, v0  }
0xca: {  	v3 =	vld [tilespmem:s15+$0x4600]  }
0xcb: {  	v0 =	vadd.f32 v1, v0  }
0xcc: {  	v1 =	vld [tilespmem:s15+$0x4800]  }
0xcd: {  	v0 =	vadd.f32 v2, v0  }
0xce: {  	v2 =	vld [tilespmem:s15+$0x4A00]  }
0xcf: {  	v0 =	vadd.f32 v3, v0  }
0xd0: {  	v3 =	vld [tilespmem:s15+$0x4C00]  }
0xd1: {  	v0 =	vadd.f32 v1, v0;
	_ =	sdelay $0x1  }
0xd2: {  	v0 =	vadd.f32 v2, v0  }
.Ltmp0:
0xd3: {  	(pc) =	sbr.rel @p0 .LBB2_2-.Ltmp0, $4  }
0xd4: {  	v0 =	vadd.f32 v3, v0  }
0xd5: {  	s11 =	sadd.s32 $0x10, s11  }
0xd6: {  	s12 =	sadd.s32 $0x10, s12;
	[tilespmem:s11+$0x0] =	vst v0  }
0xd7: {  	s14 =	sadd.s32 $0x10, s14;
	v0 =	vld [tilespmem:s12+$0x0]  }
0xd8: {  	s12 =	sand.u32 $0x1F0, s13  }
0xd9: {  	v1 =	vld [tilespmem:s12+$0x3600];
	_ =	sdelay $0x1  }
0xda: {  	v2 =	vld [tilespmem:s12+$0x3800]  }
0xdb: {  	v0 =	vadd.f32 $0.0e+00, v0  }
0xdc: {  	v3 =	vld [tilespmem:s12+$0x3A00]  }
0xdd: {  	v0 =	vadd.f32 v1, v0  }
0xde: {  	v1 =	vld [tilespmem:s12+$0x3C00]  }
0xdf: {  	v0 =	vadd.f32 v2, v0  }
0xe0: {  	v2 =	vld [tilespmem:s12+$0x3E00]  }
0xe1: {  	v0 =	vadd.f32 v3, v0  }
0xe2: {  	v3 =	vld [tilespmem:s12+$0x4000]  }
0xe3: {  	v0 =	vadd.f32 v1, v0  }
0xe4: {  	v1 =	vld [tilespmem:s12+$0x4200]  }
0xe5: {  	v0 =	vadd.f32 v2, v0  }
0xe6: {  	v2 =	vld [tilespmem:s12+$0x4400]  }
0xe7: {  	v0 =	vadd.f32 v3, v0  }
0xe8: {  	v3 =	vld [tilespmem:s12+$0x4600]  }
0xe9: {  	v0 =	vadd.f32 v1, v0  }
0xea: {  	v1 =	vld [tilespmem:s12+$0x4800]  }
0xeb: {  	v0 =	vadd.f32 v2, v0  }
0xec: {  	v2 =	vld [tilespmem:s12+$0x4A00]  }
0xed: {  	v0 =	vadd.f32 v3, v0  }
0xee: {  	v3 =	vld [tilespmem:s12+$0x4C00]  }
0xef: {  	v0 =	vadd.f32 v1, v0;
	_ =	sdelay $0x1  }
0xf0: {  	v0 =	vadd.f32 v2, v0;
	_ =	sdelay $0x1  }
0xf1: {  	v0 =	vadd.f32 v3, v0  }
0xf2: {  	s11 =	sadd.s32 $0x10, s11  }
0xf3: {  	[tilespmem:s11+$0x0] =	vst v0  }
0xf4: {  	_ =	swait.ge [sflag:s7], $0x1A00  }
0xf5: {  	s15 =	simm.s32 $0x0;
	[sflag:s7] =	ssyncset.done $0x0  }
0xf6: {  	s12 =	sand.u32 $0x1F0, s15;
	[sflag:s7] =	ssyncadd.s32 $0xFFFFE600  }
0xf7: {  	s13 =	simm.s32 $0x10;
	s11 =	simm.s32 $0x6800;
	v0 =	vld [tilespmem:s12+$0x4E00]  }
.LBB2_4:
0xf8: {  	p0 =	sne.s32 s13, $0x1F0;
	v1 =	vld [tilespmem:s11+$0x0];
	_ =	sdelay $0x1  }
0xf9: {  	v2 =	vld [tilespmem:s12+$0x5000];
	_ =	sdelay $0x1  }
0xfa: {  	v3 =	vld [tilespmem:s12+$0x5200]  }
0xfb: {  	v0 =	vadd.f32 v0, v1  }
0xfc: {  	v1 =	vld [tilespmem:s12+$0x5400]  }
0xfd: {  	v0 =	vadd.f32 v2, v0  }
0xfe: {  	v2 =	vld [tilespmem:s12+$0x5600]  }
0xff: {  	v0 =	vadd.f32 v3, v0  }
0x100: {  	v3 =	vld [tilespmem:s12+$0x5800]  }
0x101: {  	v0 =	vadd.f32 v1, v0  }
0x102: {  	v1 =	vld [tilespmem:s12+$0x5A00]  }
0x103: {  	v0 =	vadd.f32 v2, v0  }
0x104: {  	v2 =	vld [tilespmem:s12+$0x5C00]  }
0x105: {  	v0 =	vadd.f32 v3, v0  }
0x106: {  	v3 =	vld [tilespmem:s12+$0x5E00]  }
0x107: {  	v0 =	vadd.f32 v1, v0  }
0x108: {  	v1 =	vld [tilespmem:s12+$0x6000]  }
0x109: {  	v0 =	vadd.f32 v2, v0  }
0x10a: {  	v2 =	vld [tilespmem:s12+$0x6200]  }
0x10b: {  	v0 =	vadd.f32 v3, v0  }
0x10c: {  	v3 =	vld [tilespmem:s12+$0x6400]  }
0x10d: {  	v0 =	vadd.f32 v1, v0  }
0x10e: {  	v1 =	vld [tilespmem:s12+$0x6600]  }
0x10f: {  	v0 =	vadd.f32 v2, v0;
	_ =	sdelay $0x1  }
0x110: {  	v0 =	vadd.f32 v3, v0  }
.Ltmp1:
0x111: {  	(pc) =	sbr.rel @p0 .LBB2_4-.Ltmp1, $3  }
0x112: {  	v0 =	vadd.f32 v1, v0;
	_ =	sdelay $0x1  }
0x113: {  	s12 =	sand.u32 $0x1F0, s13;
	[tilespmem:s11+$0x0] =	vst v0  }
0x114: {  	s13 =	sadd.s32 $0x10, s13;
	s11 =	sadd.s32 $0x10, s11;
	v0 =	vld [tilespmem:s12+$0x4E00]  }
0x115: {  	v1 =	vld [tilespmem:s11+$0x0];
	_ =	sdelay $0x1  }
0x116: {  	v2 =	vld [tilespmem:s12+$0x5000];
	_ =	sdelay $0x1  }
0x117: {  	v3 =	vld [tilespmem:s12+$0x5200]  }
0x118: {  	v0 =	vadd.f32 v0, v1  }
0x119: {  	v54 =	vld [tilespmem:s12+$0x5400]  }
0x11a: {  	v0 =	vadd.f32 v2, v0  }
0x11b: {  	v55 =	vld [tilespmem:s12+$0x5600]  }
0x11c: {  	v0 =	vadd.f32 v3, v0  }
0x11d: {  	v56 =	vld [tilespmem:s12+$0x5800]  }
0x11e: {  	v0 =	vadd.f32 v54, v0  }
0x11f: {  	v57 =	vld [tilespmem:s12+$0x5A00]  }
0x120: {  	v0 =	vadd.f32 v55, v0  }
0x121: {  	v58 =	vld [tilespmem:s12+$0x5C00]  }
0x122: {  	v0 =	vadd.f32 v56, v0  }
0x123: {  	v59 =	vld [tilespmem:s12+$0x5E00]  }
0x124: {  	v0 =	vadd.f32 v57, v0  }
0x125: {  	v60 =	vld [tilespmem:s12+$0x6000]  }
0x126: {  	v0 =	vadd.f32 v58, v0  }
0x127: {  	v61 =	vld [tilespmem:s12+$0x6200]  }
0x128: {  	v0 =	vadd.f32 v59, v0  }
0x129: {  	v62 =	vld [tilespmem:s12+$0x6400]  }
0x12a: {  	v0 =	vadd.f32 v60, v0  }
0x12b: {  	v63 =	vld [tilespmem:s12+$0x6600]  }
0x12c: {  	v0 =	vadd.f32 v61, v0;
	_ =	sdelay $0x1  }
0x12d: {  	v0 =	vadd.f32 v62, v0;
	_ =	sdelay $0x1  }
0x12e: {  	s10 =	sadd.s32 $0x1, s10;
	v0 =	vadd.f32 v63, v0  }
0x12f: {  	p0 =	sne.s32 s10, s25  }
.Ltmp2:
0x130: {  	[tilespmem:s11+$0x0] =	vst v0;
	(pc) =	sbr.rel @p0 .LBB2_1-.Ltmp2, $4  }
0x131: {  	[hbm4b:s23+s3] =	stream.linear.scatter [tilespmem:s8], [sflag:$0x3], $0x200, $0x38;
	[tilespmem:$0x6A00] =	vst v63  }
0x132: {  	_ =	swait.ge [sflag:s9], $0x200  }
0x133: {  	[sflag:s9] =	ssyncset.done $0x0  }
0x134: {  	[sflag:s9] =	ssyncadd.s32 $0xFFFFFE00  }
0x135: {  	_ =	sfence.sel $0x180000  }
0x136: {  	[bflag:$0x0] =	sbarrier.arrive $0xFFFF  }
0x137: {  	_ =	strace $0x90000047  }
0x138: {  	s0 =	stileid.u32;
	[bflag:$0x2] =	sbarrier.arrive $0xFFFF  }
0x139: {  	p0 =	sne.s32 s0, $0x0;
	s0 =	rddreg [dreg:$0x3]  }
0x13a: {  	s0 =	sadd.s32 @!p0 $0x100000, s0  }
0x13b: {  	[sflag:s0] =	ssyncadd.tile.s32 @!p0 $0x1;
	_ =	shalt  }
.Lfunc_end2:
_tile_overlayer_lowered:
.L_overlay_start_2:
0x13c: {  	(tag) =	ssettag $0x2  }
0x13d: {  	s0 =	rddreg [dreg:$0x0];
	s2 =	stileid.u32  }
0x13e: {  	s1 =	rddreg [dreg:$0x1];
	p0 =	sne.s32 s2, $0x0  }
0x13f: {  	s3 =	rddreg [dreg:$0x2];
	[bflag:$0x3] =	sbarrier.arrive $0xFFFF;
	s2 =	simm.s32 @!p0 $0x1C03  }
0x140: {  	[timem:s3], [sflag:s2] =	dma.local @!p0 [hbm:s0], s1  }
0x141: {  	s0 =	simm.s32 @!p0 $0x3  }
0x142: {  	_ =	swait.ge @!p0 [sflag:s0], s1  }
0x143: {  	s1 =	ssub.s32 @!p0 $0x0, s1;
	[sflag:s0] =	ssyncset.done @!p0 $0x0  }
0x144: {  	[sflag:s0] =	ssyncadd.s32 @!p0 s1  }
0x145: {  	[bflag:$0x3] =	sbarrier.arrive $0xFFFF  }
0x146: {  	_ =	shalt  }

</sc_bundles>
